<compile_context>
chip_gen: v7x
topology: tpu7x:2x2x1
jax: 0.10.2.dev20260603
libtpu: 0.0.44.dev20260713+nightly
codegen_flags: <defaults>
</compile_context>

<pallas_src>
import functools
import jax
import jax.numpy as jnp
from jax import lax
from jax.experimental import pallas as pl
from jax.experimental.pallas import tpu as pltpu
from jax.experimental.pallas import tpu_sc as plsc


def _prep_body(S, M, xf_ref, bio_ref, wa_ref, wb_ref, bias_ref, mv_ref,
               labf_ref, h1_ref, h2_ref, ends_ref, slot_ref, count_ref):
    bio = bio_ref[...]
    B = bio.shape[0]
    idx1 = lax.broadcasted_iota(jnp.int32, (B, S), 1)
    nontwo = jnp.where(bio != 2, idx1, S)
    m = nontwo
    sh = 1
    while sh < S:
        shifted = jnp.concatenate(
            [m[:, sh:], jnp.full((B, sh), S, dtype=jnp.int32)], axis=1)
        m = jnp.minimum(m, shifted)
        sh *= 2
    m_next = jnp.concatenate(
        [m[:, 1:], jnp.full((B, 1), S, dtype=jnp.int32)], axis=1)
    ends = jnp.where(idx1 == S - 1, idx1 - 1,
                     jnp.where(m_next < S, m_next - 1, S - 2))
    ends_ref[...] = ends + lax.broadcasted_iota(jnp.int32, (B, S), 0) * S

    xf = xf_ref[...]
    D = wa_ref.shape[1]
    h1_ref[:, :D] = jnp.dot(xf, wa_ref[...],
                            preferred_element_type=jnp.float32) + bias_ref[...]
    h1_ref[:, D:D + 1] = labf_ref[...]
    h1_ref[:, D + 1:] = jnp.zeros_like(h1_ref[:, D + 1:])
    h2_ref[...] = jnp.dot(xf, wb_ref[...],
                          preferred_element_type=jnp.float32)

    mv = mv_ref[...]
    R, L = mv.shape
    c = mv
    sh = 1
    while sh < L:
        shifted = jnp.concatenate(
            [jnp.zeros((R, sh), jnp.float32), c[:, :-sh]], axis=1)
        c = c + shifted
        sh *= 2
    rowsum = c[:, L - 1:L]
    ro = rowsum
    sh = 1
    while sh < R:
        shifted = jnp.concatenate(
            [jnp.zeros((sh, 1), jnp.float32), ro[:-sh, :]], axis=0)
        ro = ro + shifted
        sh *= 2
    c = c + (ro - rowsum)
    total = ro[R - 1:R, :]
    c_excl = c - mv
    pos = (lax.broadcasted_iota(jnp.int32, (R, L), 0) * L
           + lax.broadcasted_iota(jnp.int32, (R, L), 1)).astype(jnp.float32)
    slot = jnp.where(mv > 0, c_excl, total + (pos - c_excl))
    slot_ref[...] = slot.astype(jnp.int32)
    count_ref[...] = total.astype(jnp.int32)


def _flash_body(N, NB, RB, CB,
                count_ref, h1_ref, h2_ref, e_ref, wbt_ref, bb_ref,
                y_ref, loss_ref,
                ps_s, s_s, pl_s, acc_s, num_s):
    rb = pl.program_id(0)
    eb = pl.program_id(1)
    n_rb = pl.num_programs(0)
    cnt = count_ref[0]
    active = rb * RB < cnt

    @pl.when((rb == 0) & (eb == 0))
    def _init_loss():
        num_s[0] = 0.0

    def _step(mask_tail):
        D = h2_ref.shape[1]

        @pl.when(eb == 0)
        def _init():
            ps_s[...] = (h1_ref[:, :D] + h2_ref[...]).astype(jnp.bfloat16)
            s_s[...] = jnp.zeros_like(s_s[...])
            pl_s[...] = jnp.zeros_like(pl_s[...])
            acc_s[...] = jnp.zeros_like(acc_s[...])

        logits = jnp.dot(ps_s[...], e_ref[...],
                         preferred_element_type=jnp.float32)
        logits = jnp.minimum(logits, 60.0)
        p = jnp.exp(logits)
        if mask_tail:
            col = eb * CB + lax.broadcasted_iota(jnp.int32, (RB, CB), 1)
            p = jnp.where(col < N, p, 0.0)
        s_s[...] = s_s[...] + jnp.sum(p, axis=1, keepdims=True)
        acc_s[...] = acc_s[...] + lax.dot_general(
            p.astype(jnp.bfloat16), e_ref[...],
            (((1,), (1,)), ((), ())),
            preferred_element_type=jnp.float32)
        col_local = lax.broadcasted_iota(jnp.int32, (RB, CB), 1)
        local = h1_ref[:, D:D + 1].astype(jnp.int32) - eb * CB
        pick = jnp.sum(jnp.where(col_local == local, logits, 0.0),
                       axis=1, keepdims=True)
        pl_s[...] = pl_s[...] + pick

    @pl.when(active & (eb < NB - 1))
    def _mid():
        _step(False)

    @pl.when(active & (eb == NB - 1))
    def _last():
        _step(True)
        s = s_s[...]
        picked = acc_s[...] / s
        upd = jnp.dot(picked.astype(jnp.bfloat16), wbt_ref[...],
                      preferred_element_type=jnp.float32) + bb_ref[...]
        row = rb * RB + lax.broadcasted_iota(jnp.int32, (RB, 1), 0)
        mk = (row < cnt).astype(jnp.float32)
        y_ref[...] = upd * mk
        ll = (pl_s[...] - jnp.log(s)) * mk
        num_s[0] = num_s[0] + jnp.sum(ll)

    @pl.when(jnp.logical_not(active) & (eb == NB - 1))
    def _zero_skipped():
        y_ref[...] = jnp.zeros_like(y_ref)

    @pl.when((rb == n_rb - 1) & (eb == NB - 1))
    def _emit():
        cntf = cnt.astype(jnp.float32)
        val = jnp.where(cnt > 0, -num_s[0] / jnp.maximum(cntf, 1.0), 0.0)
        loss_ref[...] = jnp.full((1, 1), val, dtype=jnp.float32)


def _sc_mesh():
    info = plsc.get_sparse_core_info()
    nw = info.num_cores * info.num_subcores
    mesh = plsc.VectorSubcoreMesh(core_axis_name="c", subcore_axis_name="s")
    return info, nw, mesh


def _route_all(h1, h2, slot, ends_g):
    M, D1 = h1.shape
    D2 = h2.shape[1]
    info, nw, mesh = _sc_mesh()
    cpw = M // nw

    @functools.partial(
        pl.kernel, mesh=mesh,
        out_type=[
            jax.ShapeDtypeStruct((M, D1), jnp.float32),
            jax.ShapeDtypeStruct((M, D2), jnp.float32),
        ],
        scratch_types=[
            pltpu.VMEM((cpw,), jnp.int32),
            pltpu.VMEM((cpw,), jnp.int32),
            pltpu.VMEM((cpw, D1), jnp.float32),
            pltpu.VMEM((cpw, D2), jnp.float32),
            pltpu.SemaphoreType.DMA,
        ])
    def rck(h1_hbm, h2_hbm, slot_hbm, ends_hbm, h1c_hbm, h2c_hbm,
            s_v, e_v, rows1, rows2, sem):
        wid = lax.axis_index("s") * info.num_cores + lax.axis_index("c")
        base = wid * cpw
        pltpu.sync_copy(slot_hbm.at[pl.ds(base, cpw)], s_v)
        pltpu.sync_copy(ends_hbm.at[pl.ds(base, cpw)], e_v)
        pltpu.sync_copy(h1_hbm.at[pl.ds(base, cpw)], rows1)
        pltpu.async_copy(h2_hbm.at[e_v], rows2, sem).wait()
        c1 = pltpu.async_copy(rows1, h1c_hbm.at[s_v], sem)
        c2 = pltpu.async_copy(rows2, h2c_hbm.at[s_v], sem)
        c1.wait()
        c2.wait()

    return rck(h1, h2, slot, ends_g)


def _out_gather(upd_c, slot):
    M, D = upd_c.shape
    info, nw, mesh = _sc_mesh()
    cpw = M // nw
    ch = 64
    n_ch = cpw // ch

    @functools.partial(
        pl.kernel, mesh=mesh,
        out_type=jax.ShapeDtypeStruct((M, D), jnp.float32),
        scratch_types=[
            pltpu.VMEM((ch,), jnp.int32),
            pltpu.VMEM((ch, D), jnp.float32),
            pltpu.SemaphoreType.DMA,
        ])
    def gck(upd_hbm, slot_hbm, y_hbm, idx_v, rows_v, sem):
        wid = lax.axis_index("s") * info.num_cores + lax.axis_index("c")
        base = wid * cpw

        def body(i, carry):
            off = base + i * ch
            pltpu.sync_copy(slot_hbm.at[pl.ds(off, ch)], idx_v)
            pltpu.async_copy(upd_hbm.at[idx_v], rows_v, sem).wait()
            pltpu.sync_copy(rows_v, y_hbm.at[pl.ds(off, ch)])
            return carry

        lax.fori_loop(0, n_ch, body, 0)

    return gck(upd_c, slot)


def kernel(X, bio_output, entities_output, k, W_f_w, W_f_b, W_b_w, W_b_b, E_w):
    B, S, D_emb = X.shape
    D_ent, N = E_w.shape
    M = B * S

    CB = min(6400, max(128, N))
    Npad = ((N + CB - 1) // CB) * CB
    NB = Npad // CB
    RB = min(512, M)
    n_rb = M // RB

    xf = X.reshape(M, D_emb)
    bio_n = bio_output.astype(jnp.int32)
    wa = W_f_w[:, :D_emb].T
    wb = W_f_w[:, D_emb:].T
    bias = W_f_b.reshape(1, D_ent)
    e_p = jnp.pad(E_w, ((0, 0), (0, Npad - N))).astype(jnp.bfloat16)
    wbt = W_b_w.T.astype(jnp.bfloat16)
    bb = W_b_b.reshape(1, D_emb)
    labf = entities_output.astype(jnp.float32).reshape(M, 1)
    D1 = D_ent + 128
    ml = min(128, M)
    mvalid = (bio_output == 1).astype(jnp.float32).reshape(M // ml, ml)

    h1, h2, ends_g, slot, count = pl.pallas_call(
        functools.partial(_prep_body, S, M),
        out_shape=[
            jax.ShapeDtypeStruct((M, D1), jnp.float32),
            jax.ShapeDtypeStruct((M, D_ent), jnp.float32),
            jax.ShapeDtypeStruct((B, S), jnp.int32),
            jax.ShapeDtypeStruct((M // ml, ml), jnp.int32),
            jax.ShapeDtypeStruct((1, 1), jnp.int32),
        ],
    )(xf, bio_n, wa, wb, bias, mvalid, labf)

    h1c, h2c = _route_all(h1, h2, slot.reshape(M), ends_g.reshape(M))

    flash = pl.pallas_call(
        functools.partial(_flash_body, N, NB, RB, CB),
        grid_spec=pltpu.PrefetchScalarGridSpec(
            num_scalar_prefetch=1,
            grid=(n_rb, NB),
            in_specs=[
                pl.BlockSpec((RB, D1), lambda rb, eb, cnt: (rb, 0)),
                pl.BlockSpec((RB, D_ent), lambda rb, eb, cnt: (rb, 0)),
                pl.BlockSpec((D_ent, CB),
                             lambda rb, eb, cnt:
                             (0, jnp.where(rb * RB < cnt[0], eb, 0))),
                pl.BlockSpec((D_ent, D_emb), lambda rb, eb, cnt: (0, 0)),
                pl.BlockSpec((1, D_emb), lambda rb, eb, cnt: (0, 0)),
            ],
            out_specs=[
                pl.BlockSpec((RB, D_emb), lambda rb, eb, cnt: (rb, 0)),
                pl.BlockSpec((1, 1), lambda rb, eb, cnt: (0, 0)),
            ],
            scratch_shapes=[
                pltpu.VMEM((RB, D_ent), jnp.bfloat16),
                pltpu.VMEM((RB, 1), jnp.float32),
                pltpu.VMEM((RB, 1), jnp.float32),
                pltpu.VMEM((RB, D_ent), jnp.float32),
                pltpu.SMEM((1,), jnp.float32),
            ],
        ),
        out_shape=[
            jax.ShapeDtypeStruct((M, D_emb), jnp.float32),
            jax.ShapeDtypeStruct((1, 1), jnp.float32),
        ],
        compiler_params=pltpu.CompilerParams(
            dimension_semantics=("arbitrary", "arbitrary")),
    )
    upd_c, loss = flash(count.reshape(-1), h1c, h2c, e_p, wbt, bb)

    y_flat = _out_gather(upd_c, slot.reshape(M))
    return loss[0, 0], y_flat.reshape(B, S, D_emb)

# --- scband reference (transcript-rebuilt; emitter-appended) ---
"""Pipeline reference for scband-entities-as-experts-29463475651067 (READ-ONLY COPY).

The authoritative reference and input builder live on the scoring server;
editing this copy changes nothing except your own understanding.
"""

import jax, jax.numpy as jnp
import numpy as np

B, S, D_EMB = 2, 2048, 1024
N_ENT, D_ENT = 100000, 256


def setup_inputs(seed: int = 0) -> dict:
    key = jax.random.key(seed)
    ks = jax.random.split(key, 8)
    X = jax.random.normal(ks[0], (B, S, D_EMB), dtype=jnp.float32)
    bio_output = jax.random.randint(ks[1], (B, S), 0, 3)
    entities_output = jax.random.randint(ks[2], (B, S), 0, N_ENT)
    W_f_w = jax.random.normal(ks[3], (D_ENT, 2 * D_EMB), dtype=jnp.float32) * 0.02
    W_f_b = jnp.zeros((D_ENT,), dtype=jnp.float32)
    W_b_w = jax.random.normal(ks[4], (D_EMB, D_ENT), dtype=jnp.float32) * 0.02
    W_b_b = jnp.zeros((D_EMB,), dtype=jnp.float32)
    E_w = jax.random.normal(ks[5], (D_ENT, N_ENT), dtype=jnp.float32) * 0.02
    return {"X": X, "bio_output": bio_output, "entities_output": entities_output, "k": 100,
            "W_f_w": W_f_w, "W_f_b": W_f_b, "W_b_w": W_b_w, "W_b_b": W_b_b, "E_w": E_w}


def reference(X, bio_output, entities_output, k, W_f_w, W_f_b, W_b_w, W_b_b, E_w):
    Bn, Sn = bio_output.shape
    idx = jnp.arange(Sn)
    # Faithful port of EntityMemory._get_last_mention loop (begin=1, inner=2):
    # for each j, the end index is the loop's end_mention after the `-= 1`.
    nontwo_pos = jnp.where(bio_output != 2, idx[None, :], Sn)
    m_from = jax.lax.cummin(nontwo_pos, axis=1, reverse=True)
    m_next = jnp.concatenate(
        [m_from[:, 1:], jnp.full((Bn, 1), Sn, dtype=m_from.dtype)], axis=1)
    ends = jnp.where(idx[None, :] == Sn - 1, idx[None, :] - 1,
                     jnp.where(m_next < Sn, m_next - 1, Sn - 2))
    mask = (bio_output == 1).reshape(-1)
    order = jnp.argsort(~mask)
    pb = order // Sn
    pj = order % Sn
    pe = ends.reshape(-1)[order]
    valid = mask[order]
    count = jnp.sum(valid)
    # mention span embedding: concat(first token, last token) of each mention
    first = X[pb, pj]
    second = X[pb, pe]
    mention_span = jnp.concatenate([first, second], axis=1)
    pseudo = mention_span @ W_f_w.T + W_f_b              # W_f
    logits = pseudo @ E_w                                 # pseudo @ E.weight -> [M, N]
    alpha = jax.nn.softmax(logits, axis=1)
    alpha_log = jnp.log(alpha)
    labels = jnp.asarray(entities_output).reshape(-1)[order]
    # NLLLoss (mean reduction)
    picked_ll = alpha_log[jnp.arange(alpha_log.shape[0]), labels]
    loss = -jnp.sum(jnp.where(valid, picked_ll, 0.0)) / jnp.maximum(count, 1)
    loss = jnp.where(count > 0, loss, jnp.float32(0.0))
    # training branch: picked_entity = E(alpha) = alpha @ E.weight.T
    picked_entity = alpha @ E_w.T
    upd = picked_entity @ W_b_w.T + W_b_b                 # W_b
    upd = jnp.where(valid[:, None], upd, 0.0)
    y = jnp.zeros_like(X).at[pb, pj].set(upd)
    return loss, y

if __name__ == "__main__":
    import jax
    _d = setup_inputs()
    print(jax.jit(kernel)(*tuple(_d.values())))

</pallas_src>

<mosaic_0001>
#map = affine_map<(d0, d1) -> (0, 0)>
#map1 = affine_map<(d0, d1) -> (0)>
module attributes {stable_mosaic.version = 14 : i64} {
  func.func @rck(%arg0: i32, %arg1: i32, %arg2: memref<4096x384xf32, #tpu.memory_space<hbm>>, %arg3: memref<4096x256xf32, #tpu.memory_space<hbm>>, %arg4: memref<4096xi32, #tpu.memory_space<hbm>>, %arg5: memref<4096xi32, #tpu.memory_space<hbm>>, %arg6: memref<4096x384xf32, #tpu.memory_space<hbm>>, %arg7: memref<4096x256xf32, #tpu.memory_space<hbm>>, %arg8: memref<128xi32, #tpu.memory_space<vmem>>, %arg9: memref<128xi32, #tpu.memory_space<vmem>>, %arg10: memref<128x384xf32, #tpu.memory_space<vmem>>, %arg11: memref<128x256xf32, #tpu.memory_space<vmem>>, %arg12: memref<!tpu.dma_semaphore, #tpu.memory_space<semaphore_mem>>) attributes {dimension_semantics = [#tpu.dimension_semantics<core_parallel>, #tpu.dimension_semantics<subcore_parallel>], iteration_bounds = array<i64: 2, 16>, scalar_prefetch = 0 : i64, scratch_operands = 5 : i64, tpu.core_type = #tpu.core_type<sc_vector_subcore>, window_params = [{transform_indices = #map}, {transform_indices = #map}, {transform_indices = #map1}, {transform_indices = #map1}, {transform_indices = #map}, {transform_indices = #map}]} {
    %mul3A = arith.constant 2 : i32
    %mul3A_0 = arith.muli %arg1, %mul3A : i32
    %add3A = arith.addi %mul3A_0, %arg0 : i32
    %mul3A_1 = arith.constant 128 : i32
    %mul3A_2 = arith.muli %add3A, %mul3A_1 : i32
    "tpu.region"() ({
      %run_scoped3A = tpu.sem_alloc : memref<!tpu.dma_semaphore, #tpu.memory_space<semaphore_mem>>
      %dma_start3A_19 = tpu.memref_slice %arg4[%mul3A_2] : memref<4096xi32, #tpu.memory_space<hbm>> -> memref<128xi32, #tpu.memory_space<hbm>>
      %dma_start3A_20 = tpu.memref_slice %arg4[%mul3A_2] : memref<4096xi32, #tpu.memory_space<hbm>> -> memref<128xi32, #tpu.memory_space<hbm>>
      tpu.enqueue_dma source(%dma_start3A_20 : memref<128xi32, #tpu.memory_space<hbm>>) target(%arg8 : memref<128xi32, #tpu.memory_space<vmem>>) target_semaphore(%run_scoped3A : memref<!tpu.dma_semaphore, #tpu.memory_space<semaphore_mem>>)
      %dma_wait3A_21 = tpu.memref_slice %arg4[%mul3A_2] : memref<4096xi32, #tpu.memory_space<hbm>> -> memref<128xi32, #tpu.memory_space<hbm>>
      %dma_wait3A_22 = tpu.memref_slice %arg4[%mul3A_2] : memref<4096xi32, #tpu.memory_space<hbm>> -> memref<128xi32, #tpu.memory_space<hbm>>
      tpu.wait_dma2 semaphore(%run_scoped3A : memref<!tpu.dma_semaphore, #tpu.memory_space<semaphore_mem>>) src(%dma_wait3A_22 : memref<128xi32, #tpu.memory_space<hbm>>) dst(%arg8 : memref<128xi32, #tpu.memory_space<vmem>>)
      tpu.yield
    }) : () -> ()
    "tpu.region"() ({
      %run_scoped3A = tpu.sem_alloc : memref<!tpu.dma_semaphore, #tpu.memory_space<semaphore_mem>>
      %dma_start3A_19 = tpu.memref_slice %arg5[%mul3A_2] : memref<4096xi32, #tpu.memory_space<hbm>> -> memref<128xi32, #tpu.memory_space<hbm>>
      %dma_start3A_20 = tpu.memref_slice %arg5[%mul3A_2] : memref<4096xi32, #tpu.memory_space<hbm>> -> memref<128xi32, #tpu.memory_space<hbm>>
      tpu.enqueue_dma source(%dma_start3A_20 : memref<128xi32, #tpu.memory_space<hbm>>) target(%arg9 : memref<128xi32, #tpu.memory_space<vmem>>) target_semaphore(%run_scoped3A : memref<!tpu.dma_semaphore, #tpu.memory_space<semaphore_mem>>)
      %dma_wait3A_21 = tpu.memref_slice %arg5[%mul3A_2] : memref<4096xi32, #tpu.memory_space<hbm>> -> memref<128xi32, #tpu.memory_space<hbm>>
      %dma_wait3A_22 = tpu.memref_slice %arg5[%mul3A_2] : memref<4096xi32, #tpu.memory_space<hbm>> -> memref<128xi32, #tpu.memory_space<hbm>>
      tpu.wait_dma2 semaphore(%run_scoped3A : memref<!tpu.dma_semaphore, #tpu.memory_space<semaphore_mem>>) src(%dma_wait3A_22 : memref<128xi32, #tpu.memory_space<hbm>>) dst(%arg9 : memref<128xi32, #tpu.memory_space<vmem>>)
      tpu.yield
    }) : () -> ()
    "tpu.region"() ({
      %run_scoped3A = tpu.sem_alloc : memref<!tpu.dma_semaphore, #tpu.memory_space<semaphore_mem>>
      %dma_start3A_19 = arith.constant 0 : i32
      %dma_start3A_20 = tpu.memref_slice %arg2[%mul3A_2, %dma_start3A_19] : memref<4096x384xf32, #tpu.memory_space<hbm>> -> memref<128x384xf32, #tpu.memory_space<hbm>>
      %dma_start3A_21 = arith.constant 0 : i32
      %dma_start3A_22 = tpu.memref_slice %arg2[%mul3A_2, %dma_start3A_21] : memref<4096x384xf32, #tpu.memory_space<hbm>> -> memref<128x384xf32, #tpu.memory_space<hbm>>
      tpu.enqueue_dma source(%dma_start3A_22 : memref<128x384xf32, #tpu.memory_space<hbm>>) target(%arg10 : memref<128x384xf32, #tpu.memory_space<vmem>>) target_semaphore(%run_scoped3A : memref<!tpu.dma_semaphore, #tpu.memory_space<semaphore_mem>>)
      %dma_wait3A_23 = arith.constant 0 : i32
      %dma_wait3A_24 = tpu.memref_slice %arg2[%mul3A_2, %dma_wait3A_23] : memref<4096x384xf32, #tpu.memory_space<hbm>> -> memref<128x384xf32, #tpu.memory_space<hbm>>
      %dma_wait3A_25 = arith.constant 0 : i32
      %dma_wait3A_26 = tpu.memref_slice %arg2[%mul3A_2, %dma_wait3A_25] : memref<4096x384xf32, #tpu.memory_space<hbm>> -> memref<128x384xf32, #tpu.memory_space<hbm>>
      tpu.wait_dma2 semaphore(%run_scoped3A : memref<!tpu.dma_semaphore, #tpu.memory_space<semaphore_mem>>) src(%dma_wait3A_26 : memref<128x384xf32, #tpu.memory_space<hbm>>) dst(%arg10 : memref<128x384xf32, #tpu.memory_space<vmem>>)
      tpu.yield
    }) : () -> ()
    %dma_start3A = arith.constant 0 : i32
    %dma_start3A_3 = arith.constant 0 : i32
    %dma_start3A_4 = tpu.memref_slice %arg3[%dma_start3A, %dma_start3A_3] : memref<4096x256xf32, #tpu.memory_space<hbm>> -> memref<4096x256xf32, #tpu.memory_space<hbm>>
    tpu.enqueue_indirect_dma source(%dma_start3A_4 : memref<4096x256xf32, #tpu.memory_space<hbm>>) target(%arg11 : memref<128x256xf32, #tpu.memory_space<vmem>>) offsets(%arg9 : memref<128xi32, #tpu.memory_space<vmem>>) semaphore(%arg12 : memref<!tpu.dma_semaphore, #tpu.memory_space<semaphore_mem>>)
    %dma_wait3A = arith.constant 0 : i32
    %dma_wait3A_5 = arith.constant 0 : i32
    %dma_wait3A_6 = tpu.memref_slice %arg3[%dma_wait3A, %dma_wait3A_5] : memref<4096x256xf32, #tpu.memory_space<hbm>> -> memref<4096x256xf32, #tpu.memory_space<hbm>>
    tpu.wait_indirect_dma semaphore(%arg12 : memref<!tpu.dma_semaphore, #tpu.memory_space<semaphore_mem>>) src(%dma_wait3A_6 : memref<4096x256xf32, #tpu.memory_space<hbm>>) dst(%arg11 : memref<128x256xf32, #tpu.memory_space<vmem>>)
    %dma_start3A_7 = arith.constant 0 : i32
    %dma_start3A_8 = arith.constant 0 : i32
    %dma_start3A_9 = tpu.memref_slice %arg6[%dma_start3A_7, %dma_start3A_8] : memref<4096x384xf32, #tpu.memory_space<hbm>> -> memref<4096x384xf32, #tpu.memory_space<hbm>>
    tpu.enqueue_indirect_dma source(%arg10 : memref<128x384xf32, #tpu.memory_space<vmem>>) target(%dma_start3A_9 : memref<4096x384xf32, #tpu.memory_space<hbm>>) offsets(%arg8 : memref<128xi32, #tpu.memory_space<vmem>>) semaphore(%arg12 : memref<!tpu.dma_semaphore, #tpu.memory_space<semaphore_mem>>)
    %dma_start3A_10 = arith.constant 0 : i32
    %dma_start3A_11 = arith.constant 0 : i32
    %dma_start3A_12 = tpu.memref_slice %arg7[%dma_start3A_10, %dma_start3A_11] : memref<4096x256xf32, #tpu.memory_space<hbm>> -> memref<4096x256xf32, #tpu.memory_space<hbm>>
    tpu.enqueue_indirect_dma source(%arg11 : memref<128x256xf32, #tpu.memory_space<vmem>>) target(%dma_start3A_12 : memref<4096x256xf32, #tpu.memory_space<hbm>>) offsets(%arg8 : memref<128xi32, #tpu.memory_space<vmem>>) semaphore(%arg12 : memref<!tpu.dma_semaphore, #tpu.memory_space<semaphore_mem>>)
    %dma_wait3A_13 = arith.constant 0 : i32
    %dma_wait3A_14 = arith.constant 0 : i32
    %dma_wait3A_15 = tpu.memref_slice %arg6[%dma_wait3A_13, %dma_wait3A_14] : memref<4096x384xf32, #tpu.memory_space<hbm>> -> memref<4096x384xf32, #tpu.memory_space<hbm>>
    tpu.wait_indirect_dma semaphore(%arg12 : memref<!tpu.dma_semaphore, #tpu.memory_space<semaphore_mem>>) src(%arg10 : memref<128x384xf32, #tpu.memory_space<vmem>>) dst(%dma_wait3A_15 : memref<4096x384xf32, #tpu.memory_space<hbm>>)
    %dma_wait3A_16 = arith.constant 0 : i32
    %dma_wait3A_17 = arith.constant 0 : i32
    %dma_wait3A_18 = tpu.memref_slice %arg7[%dma_wait3A_16, %dma_wait3A_17] : memref<4096x256xf32, #tpu.memory_space<hbm>> -> memref<4096x256xf32, #tpu.memory_space<hbm>>
    tpu.wait_indirect_dma semaphore(%arg12 : memref<!tpu.dma_semaphore, #tpu.memory_space<semaphore_mem>>) src(%arg11 : memref<128x256xf32, #tpu.memory_space<vmem>>) dst(%dma_wait3A_18 : memref<4096x256xf32, #tpu.memory_space<hbm>>)
    return
  }
}

#map = affine_map<(d0, d1) -> (0, 0)>
#map1 = affine_map<(d0, d1) -> (0)>
module attributes {stable_mosaic.version = 14 : i64} {
  func.func @gck(%arg0: i32, %arg1: i32, %arg2: memref<4096x1024xf32, #tpu.memory_space<hbm>>, %arg3: memref<4096xi32, #tpu.memory_space<hbm>>, %arg4: memref<4096x1024xf32, #tpu.memory_space<hbm>>, %arg5: memref<64xi32, #tpu.memory_space<vmem>>, %arg6: memref<64x1024xf32, #tpu.memory_space<vmem>>, %arg7: memref<!tpu.dma_semaphore, #tpu.memory_space<semaphore_mem>>) attributes {dimension_semantics = [#tpu.dimension_semantics<core_parallel>, #tpu.dimension_semantics<subcore_parallel>], iteration_bounds = array<i64: 2, 16>, scalar_prefetch = 0 : i64, scratch_operands = 3 : i64, tpu.core_type = #tpu.core_type<sc_vector_subcore>, window_params = [{transform_indices = #map}, {transform_indices = #map1}, {transform_indices = #map}]} {
    %mul3A = arith.constant 2 : i32
    %mul3A_0 = arith.muli %arg1, %mul3A : i32
    %add3A = arith.addi %mul3A_0, %arg0 : i32
    %mul3A_1 = arith.constant 128 : i32
    %mul3A_2 = arith.muli %add3A, %mul3A_1 : i32
    %scan3A = arith.constant 0 : i32
    %scan3A_3 = arith.constant 0 : i32
    %scan3A_4 = arith.constant 2 : i32
    %scan3A_5 = arith.addi %scan3A_3, %scan3A_4 : i32
    %scan3A_6 = arith.constant 1 : i32
    scf.for %scan3A_8 = %scan3A_3 to %scan3A_5 step %scan3A_6  : i32 {
      %mul3A_9 = arith.constant 64 : i32
      %mul3A_10 = arith.muli %scan3A_8, %mul3A_9 : i32
      %add3A_11 = arith.addi %mul3A_2, %mul3A_10 : i32
      "tpu.region"() ({
        %run_scoped3A = tpu.sem_alloc : memref<!tpu.dma_semaphore, #tpu.memory_space<semaphore_mem>>
        %dma_start3A_16 = tpu.memref_slice %arg3[%add3A_11] : memref<4096xi32, #tpu.memory_space<hbm>> -> memref<64xi32, #tpu.memory_space<hbm>>
        %dma_start3A_17 = tpu.memref_slice %arg3[%add3A_11] : memref<4096xi32, #tpu.memory_space<hbm>> -> memref<64xi32, #tpu.memory_space<hbm>>
        tpu.enqueue_dma source(%dma_start3A_17 : memref<64xi32, #tpu.memory_space<hbm>>) target(%arg5 : memref<64xi32, #tpu.memory_space<vmem>>) target_semaphore(%run_scoped3A : memref<!tpu.dma_semaphore, #tpu.memory_space<semaphore_mem>>)
        %dma_wait3A_18 = tpu.memref_slice %arg3[%add3A_11] : memref<4096xi32, #tpu.memory_space<hbm>> -> memref<64xi32, #tpu.memory_space<hbm>>
        %dma_wait3A_19 = tpu.memref_slice %arg3[%add3A_11] : memref<4096xi32, #tpu.memory_space<hbm>> -> memref<64xi32, #tpu.memory_space<hbm>>
        tpu.wait_dma2 semaphore(%run_scoped3A : memref<!tpu.dma_semaphore, #tpu.memory_space<semaphore_mem>>) src(%dma_wait3A_19 : memref<64xi32, #tpu.memory_space<hbm>>) dst(%arg5 : memref<64xi32, #tpu.memory_space<vmem>>)
        tpu.yield
      }) : () -> ()
      %dma_start3A = arith.constant 0 : i32
      %dma_start3A_12 = arith.constant 0 : i32
      %dma_start3A_13 = tpu.memref_slice %arg2[%dma_start3A, %dma_start3A_12] : memref<4096x1024xf32, #tpu.memory_space<hbm>> -> memref<4096x1024xf32, #tpu.memory_space<hbm>>
      tpu.enqueue_indirect_dma source(%dma_start3A_13 : memref<4096x1024xf32, #tpu.memory_space<hbm>>) target(%arg6 : memref<64x1024xf32, #tpu.memory_space<vmem>>) offsets(%arg5 : memref<64xi32, #tpu.memory_space<vmem>>) semaphore(%arg7 : memref<!tpu.dma_semaphore, #tpu.memory_space<semaphore_mem>>)
      %dma_wait3A = arith.constant 0 : i32
      %dma_wait3A_14 = arith.constant 0 : i32
      %dma_wait3A_15 = tpu.memref_slice %arg2[%dma_wait3A, %dma_wait3A_14] : memref<4096x1024xf32, #tpu.memory_space<hbm>> -> memref<4096x1024xf32, #tpu.memory_space<hbm>>
      tpu.wait_indirect_dma semaphore(%arg7 : memref<!tpu.dma_semaphore, #tpu.memory_space<semaphore_mem>>) src(%dma_wait3A_15 : memref<4096x1024xf32, #tpu.memory_space<hbm>>) dst(%arg6 : memref<64x1024xf32, #tpu.memory_space<vmem>>)
      "tpu.region"() ({
        %run_scoped3A = tpu.sem_alloc : memref<!tpu.dma_semaphore, #tpu.memory_space<semaphore_mem>>
        %dma_start3A_16 = arith.constant 0 : i32
        %dma_start3A_17 = tpu.memref_slice %arg4[%add3A_11, %dma_start3A_16] : memref<4096x1024xf32, #tpu.memory_space<hbm>> -> memref<64x1024xf32, #tpu.memory_space<hbm>>
        %dma_start3A_18 = arith.constant 0 : i32
        %dma_start3A_19 = tpu.memref_slice %arg4[%add3A_11, %dma_start3A_18] : memref<4096x1024xf32, #tpu.memory_space<hbm>> -> memref<64x1024xf32, #tpu.memory_space<hbm>>
        tpu.enqueue_dma source(%arg6 : memref<64x1024xf32, #tpu.memory_space<vmem>>) target(%dma_start3A_19 : memref<64x1024xf32, #tpu.memory_space<hbm>>) target_semaphore(%run_scoped3A : memref<!tpu.dma_semaphore, #tpu.memory_space<semaphore_mem>>)
        %dma_wait3A_20 = arith.constant 0 : i32
        %dma_wait3A_21 = tpu.memref_slice %arg4[%add3A_11, %dma_wait3A_20] : memref<4096x1024xf32, #tpu.memory_space<hbm>> -> memref<64x1024xf32, #tpu.memory_space<hbm>>
        %dma_wait3A_22 = arith.constant 0 : i32
        %dma_wait3A_23 = tpu.memref_slice %arg4[%add3A_11, %dma_wait3A_22] : memref<4096x1024xf32, #tpu.memory_space<hbm>> -> memref<64x1024xf32, #tpu.memory_space<hbm>>
        tpu.wait_dma2 semaphore(%run_scoped3A : memref<!tpu.dma_semaphore, #tpu.memory_space<semaphore_mem>>) src(%arg6 : memref<64x1024xf32, #tpu.memory_space<vmem>>) dst(%dma_wait3A_23 : memref<64x1024xf32, #tpu.memory_space<hbm>>)
        tpu.yield
      }) : () -> ()
    }
    %scan3A_7 = arith.constant 2 : i32
    return
  }
}

module attributes {stable_mosaic.version = 14 : i64} {
  func.func @_prep_body(%arg0: memref<4096x1024xf32, #tpu.memory_space<vmem>>, %arg1: memref<2x2048xi32, #tpu.memory_space<vmem>>, %arg2: memref<1024x256xf32, #tpu.memory_space<vmem>>, %arg3: memref<1024x256xf32, #tpu.memory_space<vmem>>, %arg4: memref<1x256xf32, #tpu.memory_space<vmem>>, %arg5: memref<32x128xf32, #tpu.memory_space<vmem>>, %arg6: memref<4096x1xf32, #tpu.memory_space<vmem>>, %arg7: memref<4096x384xf32, #tpu.memory_space<vmem>>, %arg8: memref<4096x256xf32, #tpu.memory_space<vmem>>, %arg9: memref<2x2048xi32, #tpu.memory_space<vmem>>, %arg10: memref<32x128xi32, #tpu.memory_space<vmem>>, %arg11: memref<1x1xi32, #tpu.memory_space<vmem>>) attributes {dimension_semantics = [], scalar_prefetch = 0 : i64, scratch_operands = 0 : i64, tpu.core_type = #tpu.core_type<tc>} {
    %get3A = arith.constant 0 : index
    %get3A_0 = arith.constant 0 : index
    %get3A_1 = vector.load %arg1[%get3A, %get3A_0] : memref<2x2048xi32, #tpu.memory_space<vmem>>, vector<2x2048xi32>
    %iota3A = tpu.iota {dimensions = array<i32: 1>} : vector<2x2048xi32>
    %ne3A = arith.constant 2 : i32
    %ne3A_2 = vector.broadcast %ne3A : i32 to vector<2x2048xi32>
    %ne3A_3 = arith.cmpi ne, %get3A_1, %ne3A_2 : vector<2x2048xi32>
    %jit3A = arith.constant 2048 : i32
    %broadcast_in_dim3A = vector.broadcast %jit3A : i32 to vector<2x2048xi32>
    %select_n3A = arith.select %ne3A_3, %iota3A, %broadcast_in_dim3A : vector<2x2048xi1>, vector<2x2048xi32>
    %slice3A = vector.extract_strided_slice %select_n3A {offsets = [0, 1], sizes = [2, 2047], strides = [1, 1]} : vector<2x2048xi32> to vector<2x2047xi32>
    %broadcast_in_dim3A_4 = arith.constant 2048 : i32
    %broadcast_in_dim3A_5 = vector.broadcast %broadcast_in_dim3A_4 : i32 to vector<2x1xi32>
    %concatenate3A = tpu.concatenate %slice3A, %broadcast_in_dim3A_5 in 1 : vector<2x2047xi32>, vector<2x1xi32> -> vector<2x2048xi32>
    %min3A = arith.minsi %select_n3A, %concatenate3A : vector<2x2048xi32>
    %slice3A_6 = vector.extract_strided_slice %min3A {offsets = [0, 2], sizes = [2, 2046], strides = [1, 1]} : vector<2x2048xi32> to vector<2x2046xi32>
    %broadcast_in_dim3A_7 = arith.constant 2048 : i32
    %broadcast_in_dim3A_8 = vector.broadcast %broadcast_in_dim3A_7 : i32 to vector<2x2xi32>
    %concatenate3A_9 = tpu.concatenate %slice3A_6, %broadcast_in_dim3A_8 in 1 : vector<2x2046xi32>, vector<2x2xi32> -> vector<2x2048xi32>
    %min3A_10 = arith.minsi %min3A, %concatenate3A_9 : vector<2x2048xi32>
    %slice3A_11 = vector.extract_strided_slice %min3A_10 {offsets = [0, 4], sizes = [2, 2044], strides = [1, 1]} : vector<2x2048xi32> to vector<2x2044xi32>
    %broadcast_in_dim3A_12 = arith.constant 2048 : i32
    %broadcast_in_dim3A_13 = vector.broadcast %broadcast_in_dim3A_12 : i32 to vector<2x4xi32>
    %concatenate3A_14 = tpu.concatenate %slice3A_11, %broadcast_in_dim3A_13 in 1 : vector<2x2044xi32>, vector<2x4xi32> -> vector<2x2048xi32>
    %min3A_15 = arith.minsi %min3A_10, %concatenate3A_14 : vector<2x2048xi32>
    %slice3A_16 = vector.extract_strided_slice %min3A_15 {offsets = [0, 8], sizes = [2, 2040], strides = [1, 1]} : vector<2x2048xi32> to vector<2x2040xi32>
    %broadcast_in_dim3A_17 = arith.constant 2048 : i32
    %broadcast_in_dim3A_18 = vector.broadcast %broadcast_in_dim3A_17 : i32 to vector<2x8xi32>
    %concatenate3A_19 = tpu.concatenate %slice3A_16, %broadcast_in_dim3A_18 in 1 : vector<2x2040xi32>, vector<2x8xi32> -> vector<2x2048xi32>
    %min3A_20 = arith.minsi %min3A_15, %concatenate3A_19 : vector<2x2048xi32>
    %slice3A_21 = vector.extract_strided_slice %min3A_20 {offsets = [0, 16], sizes = [2, 2032], strides = [1, 1]} : vector<2x2048xi32> to vector<2x2032xi32>
    %broadcast_in_dim3A_22 = arith.constant 2048 : i32
    %broadcast_in_dim3A_23 = vector.broadcast %broadcast_in_dim3A_22 : i32 to vector<2x16xi32>
    %concatenate3A_24 = tpu.concatenate %slice3A_21, %broadcast_in_dim3A_23 in 1 : vector<2x2032xi32>, vector<2x16xi32> -> vector<2x2048xi32>
    %min3A_25 = arith.minsi %min3A_20, %concatenate3A_24 : vector<2x2048xi32>
    %slice3A_26 = vector.extract_strided_slice %min3A_25 {offsets = [0, 32], sizes = [2, 2016], strides = [1, 1]} : vector<2x2048xi32> to vector<2x2016xi32>
    %broadcast_in_dim3A_27 = arith.constant 2048 : i32
    %broadcast_in_dim3A_28 = vector.broadcast %broadcast_in_dim3A_27 : i32 to vector<2x32xi32>
    %concatenate3A_29 = tpu.concatenate %slice3A_26, %broadcast_in_dim3A_28 in 1 : vector<2x2016xi32>, vector<2x32xi32> -> vector<2x2048xi32>
    %min3A_30 = arith.minsi %min3A_25, %concatenate3A_29 : vector<2x2048xi32>
    %slice3A_31 = vector.extract_strided_slice %min3A_30 {offsets = [0, 64], sizes = [2, 1984], strides = [1, 1]} : vector<2x2048xi32> to vector<2x1984xi32>
    %broadcast_in_dim3A_32 = arith.constant 2048 : i32
    %broadcast_in_dim3A_33 = vector.broadcast %broadcast_in_dim3A_32 : i32 to vector<2x64xi32>
    %concatenate3A_34 = tpu.concatenate %slice3A_31, %broadcast_in_dim3A_33 in 1 : vector<2x1984xi32>, vector<2x64xi32> -> vector<2x2048xi32>
    %min3A_35 = arith.minsi %min3A_30, %concatenate3A_34 : vector<2x2048xi32>
    %slice3A_36 = vector.extract_strided_slice %min3A_35 {offsets = [0, 128], sizes = [2, 1920], strides = [1, 1]} : vector<2x2048xi32> to vector<2x1920xi32>
    %broadcast_in_dim3A_37 = arith.constant 2048 : i32
    %broadcast_in_dim3A_38 = vector.broadcast %broadcast_in_dim3A_37 : i32 to vector<2x128xi32>
    %concatenate3A_39 = tpu.concatenate %slice3A_36, %broadcast_in_dim3A_38 in 1 : vector<2x1920xi32>, vector<2x128xi32> -> vector<2x2048xi32>
    %min3A_40 = arith.minsi %min3A_35, %concatenate3A_39 : vector<2x2048xi32>
    %slice3A_41 = vector.extract_strided_slice %min3A_40 {offsets = [0, 256], sizes = [2, 1792], strides = [1, 1]} : vector<2x2048xi32> to vector<2x1792xi32>
    %broadcast_in_dim3A_42 = arith.constant 2048 : i32
    %broadcast_in_dim3A_43 = vector.broadcast %broadcast_in_dim3A_42 : i32 to vector<2x256xi32>
    %concatenate3A_44 = tpu.concatenate %slice3A_41, %broadcast_in_dim3A_43 in 1 : vector<2x1792xi32>, vector<2x256xi32> -> vector<2x2048xi32>
    %min3A_45 = arith.minsi %min3A_40, %concatenate3A_44 : vector<2x2048xi32>
    %slice3A_46 = vector.extract_strided_slice %min3A_45 {offsets = [0, 512], sizes = [2, 1536], strides = [1, 1]} : vector<2x2048xi32> to vector<2x1536xi32>
    %broadcast_in_dim3A_47 = arith.constant 2048 : i32
    %broadcast_in_dim3A_48 = vector.broadcast %broadcast_in_dim3A_47 : i32 to vector<2x512xi32>
    %concatenate3A_49 = tpu.concatenate %slice3A_46, %broadcast_in_dim3A_48 in 1 : vector<2x1536xi32>, vector<2x512xi32> -> vector<2x2048xi32>
    %min3A_50 = arith.minsi %min3A_45, %concatenate3A_49 : vector<2x2048xi32>
    %slice3A_51 = vector.extract_strided_slice %min3A_50 {offsets = [0, 1024], sizes = [2, 1024], strides = [1, 1]} : vector<2x2048xi32> to vector<2x1024xi32>
    %broadcast_in_dim3A_52 = arith.constant 2048 : i32
    %broadcast_in_dim3A_53 = vector.broadcast %broadcast_in_dim3A_52 : i32 to vector<2x1024xi32>
    %concatenate3A_54 = tpu.concatenate %slice3A_51, %broadcast_in_dim3A_53 in 1 : vector<2x1024xi32>, vector<2x1024xi32> -> vector<2x2048xi32>
    %min3A_55 = arith.minsi %min3A_50, %concatenate3A_54 : vector<2x2048xi32>
    %slice3A_56 = vector.extract_strided_slice %min3A_55 {offsets = [0, 1], sizes = [2, 2047], strides = [1, 1]} : vector<2x2048xi32> to vector<2x2047xi32>
    %broadcast_in_dim3A_57 = arith.constant 2048 : i32
    %broadcast_in_dim3A_58 = vector.broadcast %broadcast_in_dim3A_57 : i32 to vector<2x1xi32>
    %concatenate3A_59 = tpu.concatenate %slice3A_56, %broadcast_in_dim3A_58 in 1 : vector<2x2047xi32>, vector<2x1xi32> -> vector<2x2048xi32>
    %eq3A = arith.constant 2047 : i32
    %eq3A_60 = vector.broadcast %eq3A : i32 to vector<2x2048xi32>
    %eq3A_61 = arith.cmpi eq, %iota3A, %eq3A_60 : vector<2x2048xi32>
    %sub3A = arith.constant 1 : i32
    %sub3A_62 = vector.broadcast %sub3A : i32 to vector<2x2048xi32>
    %sub3A_63 = arith.subi %iota3A, %sub3A_62 : vector<2x2048xi32>
    %lt3A = arith.constant 2048 : i32
    %lt3A_64 = vector.broadcast %lt3A : i32 to vector<2x2048xi32>
    %lt3A_65 = arith.cmpi slt, %concatenate3A_59, %lt3A_64 : vector<2x2048xi32>
    %sub3A_66 = arith.constant 1 : i32
    %sub3A_67 = vector.broadcast %sub3A_66 : i32 to vector<2x2048xi32>
    %sub3A_68 = arith.subi %concatenate3A_59, %sub3A_67 : vector<2x2048xi32>
    %jit3A_69 = arith.constant 2046 : i32
    %broadcast_in_dim3A_70 = vector.broadcast %jit3A_69 : i32 to vector<2x2048xi32>
    %select_n3A_71 = arith.select %lt3A_65, %sub3A_68, %broadcast_in_dim3A_70 : vector<2x2048xi1>, vector<2x2048xi32>
    %select_n3A_72 = arith.select %eq3A_61, %sub3A_63, %select_n3A_71 : vector<2x2048xi1>, vector<2x2048xi32>
    %iota3A_73 = tpu.iota {dimensions = array<i32: 0>} : vector<2x2048xi32>
    %mul3A = arith.constant 2048 : i32
    %mul3A_74 = vector.broadcast %mul3A : i32 to vector<2x2048xi32>
    %mul3A_75 = arith.muli %iota3A_73, %mul3A_74 : vector<2x2048xi32>
    %add3A = arith.addi %select_n3A_72, %mul3A_75 : vector<2x2048xi32>
    %swap3A = arith.constant 0 : index
    %swap3A_76 = arith.constant 0 : index
    %swap3A_77 = vector.load %arg9[%swap3A, %swap3A_76] : memref<2x2048xi32, #tpu.memory_space<vmem>>, vector<2x2048xi32>
    tpu.vector_store %arg9[%swap3A, %swap3A_76], %add3A {strides = array<i32>} : memref<2x2048xi32, #tpu.memory_space<vmem>>, vector<2x2048xi32>,
    %get3A_78 = arith.constant 0 : index
    %get3A_79 = arith.constant 0 : index
    %get3A_80 = vector.load %arg0[%get3A_78, %get3A_79] : memref<4096x1024xf32, #tpu.memory_space<vmem>>, vector<4096x1024xf32>
    %get3A_81 = arith.constant 0 : index
    %get3A_82 = arith.constant 0 : index
    %get3A_83 = vector.load %arg2[%get3A_81, %get3A_82] : memref<1024x256xf32, #tpu.memory_space<vmem>>, vector<1024x256xf32>
    %dot_general3A = arith.constant dense<0.000000e+00> : vector<4096x256xf32>
    %dot_general3A_84 = tpu.matmul %get3A_80, %get3A_83, %dot_general3A {dimension_numbers = #tpu.dot_dimension_numbers<[1], [0], [0], [1], [0, 0, 1, 1], [], []>, transpose_lhs_hint = false} : vector<4096x1024xf32>, vector<1024x256xf32>, vector<4096x256xf32> -> vector<4096x256xf32>
    %get3A_85 = arith.constant 0 : index
    %get3A_86 = arith.constant 0 : index
    %get3A_87 = vector.load %arg4[%get3A_85, %get3A_86] : memref<1x256xf32, #tpu.memory_space<vmem>>, vector<1x256xf32>
    %add3A_88 = vector.broadcast %get3A_87 : vector<1x256xf32> to vector<4096x256xf32>
    %add3A_89 = arith.addf %dot_general3A_84, %add3A_88 : vector<4096x256xf32>
    %swap3A_90 = arith.constant 0 : index
    %swap3A_91 = arith.constant 0 : index
    %swap3A_92 = vector.load %arg7[%swap3A_90, %swap3A_91] : memref<4096x384xf32, #tpu.memory_space<vmem>>, vector<4096x256xf32>
    tpu.vector_store %arg7[%swap3A_90, %swap3A_91], %add3A_89 {strides = array<i32>} : memref<4096x384xf32, #tpu.memory_space<vmem>>, vector<4096x256xf32>,
    %get3A_93 = arith.constant 0 : index
    %get3A_94 = arith.constant 0 : index
    %get3A_95 = vector.load %arg6[%get3A_93, %get3A_94] : memref<4096x1xf32, #tpu.memory_space<vmem>>, vector<4096x1xf32>
    %swap3A_96 = arith.constant 0 : index
    %swap3A_97 = arith.constant 256 : index
    %swap3A_98 = vector.load %arg7[%swap3A_96, %swap3A_97] : memref<4096x384xf32, #tpu.memory_space<vmem>>, vector<4096x1xf32>
    tpu.vector_store %arg7[%swap3A_96, %swap3A_97], %get3A_95 {strides = array<i32>} : memref<4096x384xf32, #tpu.memory_space<vmem>>, vector<4096x1xf32>,
    %broadcast_in_dim3A_99 = arith.constant 0.000000e+00 : f32
    %broadcast_in_dim3A_100 = vector.broadcast %broadcast_in_dim3A_99 : f32 to vector<4096x127xf32>
    %swap3A_101 = arith.constant 0 : index
    %swap3A_102 = arith.constant 257 : index
    %swap3A_103 = vector.load %arg7[%swap3A_101, %swap3A_102] : memref<4096x384xf32, #tpu.memory_space<vmem>>, vector<4096x127xf32>
    tpu.vector_store %arg7[%swap3A_101, %swap3A_102], %broadcast_in_dim3A_100 {strides = array<i32>} : memref<4096x384xf32, #tpu.memory_space<vmem>>, vector<4096x127xf32>,
    %get3A_104 = arith.constant 0 : index
    %get3A_105 = arith.constant 0 : index
    %get3A_106 = vector.load %arg3[%get3A_104, %get3A_105] : memref<1024x256xf32, #tpu.memory_space<vmem>>, vector<1024x256xf32>
    %dot_general3A_107 = arith.constant dense<0.000000e+00> : vector<4096x256xf32>
    %dot_general3A_108 = tpu.matmul %get3A_80, %get3A_106, %dot_general3A_107 {dimension_numbers = #tpu.dot_dimension_numbers<[1], [0], [0], [1], [0, 0, 1, 1], [], []>, transpose_lhs_hint = false} : vector<4096x1024xf32>, vector<1024x256xf32>, vector<4096x256xf32> -> vector<4096x256xf32>
    %swap3A_109 = arith.constant 0 : index
    %swap3A_110 = arith.constant 0 : index
    %swap3A_111 = vector.load %arg8[%swap3A_109, %swap3A_110] : memref<4096x256xf32, #tpu.memory_space<vmem>>, vector<4096x256xf32>
    tpu.vector_store %arg8[%swap3A_109, %swap3A_110], %dot_general3A_108 {strides = array<i32>} : memref<4096x256xf32, #tpu.memory_space<vmem>>, vector<4096x256xf32>,
    %get3A_112 = arith.constant 0 : index
    %get3A_113 = arith.constant 0 : index
    %get3A_114 = vector.load %arg5[%get3A_112, %get3A_113] : memref<32x128xf32, #tpu.memory_space<vmem>>, vector<32x128xf32>
    %broadcast_in_dim3A_115 = arith.constant 0.000000e+00 : f32
    %broadcast_in_dim3A_116 = vector.broadcast %broadcast_in_dim3A_115 : f32 to vector<32x1xf32>
    %slice3A_117 = vector.extract_strided_slice %get3A_114 {offsets = [0, 0], sizes = [32, 127], strides = [1, 1]} : vector<32x128xf32> to vector<32x127xf32>
    %concatenate3A_118 = tpu.concatenate %broadcast_in_dim3A_116, %slice3A_117 in 1 : vector<32x1xf32>, vector<32x127xf32> -> vector<32x128xf32>
    %add3A_119 = arith.addf %get3A_114, %concatenate3A_118 : vector<32x128xf32>
    %broadcast_in_dim3A_120 = arith.constant 0.000000e+00 : f32
    %broadcast_in_dim3A_121 = vector.broadcast %broadcast_in_dim3A_120 : f32 to vector<32x2xf32>
    %slice3A_122 = vector.extract_strided_slice %add3A_119 {offsets = [0, 0], sizes = [32, 126], strides = [1, 1]} : vector<32x128xf32> to vector<32x126xf32>
    %concatenate3A_123 = tpu.concatenate %broadcast_in_dim3A_121, %slice3A_122 in 1 : vector<32x2xf32>, vector<32x126xf32> -> vector<32x128xf32>
    %add3A_124 = arith.addf %add3A_119, %concatenate3A_123 : vector<32x128xf32>
    %broadcast_in_dim3A_125 = arith.constant 0.000000e+00 : f32
    %broadcast_in_dim3A_126 = vector.broadcast %broadcast_in_dim3A_125 : f32 to vector<32x4xf32>
    %slice3A_127 = vector.extract_strided_slice %add3A_124 {offsets = [0, 0], sizes = [32, 124], strides = [1, 1]} : vector<32x128xf32> to vector<32x124xf32>
    %concatenate3A_128 = tpu.concatenate %broadcast_in_dim3A_126, %slice3A_127 in 1 : vector<32x4xf32>, vector<32x124xf32> -> vector<32x128xf32>
    %add3A_129 = arith.addf %add3A_124, %concatenate3A_128 : vector<32x128xf32>
    %broadcast_in_dim3A_130 = arith.constant 0.000000e+00 : f32
    %broadcast_in_dim3A_131 = vector.broadcast %broadcast_in_dim3A_130 : f32 to vector<32x8xf32>
    %slice3A_132 = vector.extract_strided_slice %add3A_129 {offsets = [0, 0], sizes = [32, 120], strides = [1, 1]} : vector<32x128xf32> to vector<32x120xf32>
    %concatenate3A_133 = tpu.concatenate %broadcast_in_dim3A_131, %slice3A_132 in 1 : vector<32x8xf32>, vector<32x120xf32> -> vector<32x128xf32>
    %add3A_134 = arith.addf %add3A_129, %concatenate3A_133 : vector<32x128xf32>
    %broadcast_in_dim3A_135 = arith.constant 0.000000e+00 : f32
    %broadcast_in_dim3A_136 = vector.broadcast %broadcast_in_dim3A_135 : f32 to vector<32x16xf32>
    %slice3A_137 = vector.extract_strided_slice %add3A_134 {offsets = [0, 0], sizes = [32, 112], strides = [1, 1]} : vector<32x128xf32> to vector<32x112xf32>
    %concatenate3A_138 = tpu.concatenate %broadcast_in_dim3A_136, %slice3A_137 in 1 : vector<32x16xf32>, vector<32x112xf32> -> vector<32x128xf32>
    %add3A_139 = arith.addf %add3A_134, %concatenate3A_138 : vector<32x128xf32>
    %broadcast_in_dim3A_140 = arith.constant 0.000000e+00 : f32
    %broadcast_in_dim3A_141 = vector.broadcast %broadcast_in_dim3A_140 : f32 to vector<32x32xf32>
    %slice3A_142 = vector.extract_strided_slice %add3A_139 {offsets = [0, 0], sizes = [32, 96], strides = [1, 1]} : vector<32x128xf32> to vector<32x96xf32>
    %concatenate3A_143 = tpu.concatenate %broadcast_in_dim3A_141, %slice3A_142 in 1 : vector<32x32xf32>, vector<32x96xf32> -> vector<32x128xf32>
    %add3A_144 = arith.addf %add3A_139, %concatenate3A_143 : vector<32x128xf32>
    %broadcast_in_dim3A_145 = arith.constant 0.000000e+00 : f32
    %broadcast_in_dim3A_146 = vector.broadcast %broadcast_in_dim3A_145 : f32 to vector<32x64xf32>
    %slice3A_147 = vector.extract_strided_slice %add3A_144 {offsets = [0, 0], sizes = [32, 64], strides = [1, 1]} : vector<32x128xf32> to vector<32x64xf32>
    %concatenate3A_148 = tpu.concatenate %broadcast_in_dim3A_146, %slice3A_147 in 1 : vector<32x64xf32>, vector<32x64xf32> -> vector<32x128xf32>
    %add3A_149 = arith.addf %add3A_144, %concatenate3A_148 : vector<32x128xf32>
    %slice3A_150 = vector.extract_strided_slice %add3A_149 {offsets = [0, 127], sizes = [32, 1], strides = [1, 1]} : vector<32x128xf32> to vector<32x1xf32>
    %broadcast_in_dim3A_151 = arith.constant 0.000000e+00 : f32
    %broadcast_in_dim3A_152 = vector.broadcast %broadcast_in_dim3A_151 : f32 to vector<1x1xf32>
    %slice3A_153 = vector.extract_strided_slice %slice3A_150 {offsets = [0, 0], sizes = [31, 1], strides = [1, 1]} : vector<32x1xf32> to vector<31x1xf32>
    %concatenate3A_154 = tpu.concatenate %broadcast_in_dim3A_152, %slice3A_153 in 0 : vector<1x1xf32>, vector<31x1xf32> -> vector<32x1xf32>
    %add3A_155 = arith.addf %slice3A_150, %concatenate3A_154 : vector<32x1xf32>
    %broadcast_in_dim3A_156 = arith.constant 0.000000e+00 : f32
    %broadcast_in_dim3A_157 = vector.broadcast %broadcast_in_dim3A_156 : f32 to vector<2x1xf32>
    %slice3A_158 = vector.extract_strided_slice %add3A_155 {offsets = [0, 0], sizes = [30, 1], strides = [1, 1]} : vector<32x1xf32> to vector<30x1xf32>
    %concatenate3A_159 = tpu.concatenate %broadcast_in_dim3A_157, %slice3A_158 in 0 : vector<2x1xf32>, vector<30x1xf32> -> vector<32x1xf32>
    %add3A_160 = arith.addf %add3A_155, %concatenate3A_159 : vector<32x1xf32>
    %broadcast_in_dim3A_161 = arith.constant 0.000000e+00 : f32
    %broadcast_in_dim3A_162 = vector.broadcast %broadcast_in_dim3A_161 : f32 to vector<4x1xf32>
    %slice3A_163 = vector.extract_strided_slice %add3A_160 {offsets = [0, 0], sizes = [28, 1], strides = [1, 1]} : vector<32x1xf32> to vector<28x1xf32>
    %concatenate3A_164 = tpu.concatenate %broadcast_in_dim3A_162, %slice3A_163 in 0 : vector<4x1xf32>, vector<28x1xf32> -> vector<32x1xf32>
    %add3A_165 = arith.addf %add3A_160, %concatenate3A_164 : vector<32x1xf32>
    %broadcast_in_dim3A_166 = arith.constant 0.000000e+00 : f32
    %broadcast_in_dim3A_167 = vector.broadcast %broadcast_in_dim3A_166 : f32 to vector<8x1xf32>
    %slice3A_168 = vector.extract_strided_slice %add3A_165 {offsets = [0, 0], sizes = [24, 1], strides = [1, 1]} : vector<32x1xf32> to vector<24x1xf32>
    %concatenate3A_169 = tpu.concatenate %broadcast_in_dim3A_167, %slice3A_168 in 0 : vector<8x1xf32>, vector<24x1xf32> -> vector<32x1xf32>
    %add3A_170 = arith.addf %add3A_165, %concatenate3A_169 : vector<32x1xf32>
    %broadcast_in_dim3A_171 = arith.constant 0.000000e+00 : f32
    %broadcast_in_dim3A_172 = vector.broadcast %broadcast_in_dim3A_171 : f32 to vector<16x1xf32>
    %slice3A_173 = vector.extract_strided_slice %add3A_170 {offsets = [0, 0], sizes = [16, 1], strides = [1, 1]} : vector<32x1xf32> to vector<16x1xf32>
    %concatenate3A_174 = tpu.concatenate %broadcast_in_dim3A_172, %slice3A_173 in 0 : vector<16x1xf32>, vector<16x1xf32> -> vector<32x1xf32>
    %add3A_175 = arith.addf %add3A_170, %concatenate3A_174 : vector<32x1xf32>
    %sub3A_176 = arith.subf %add3A_175, %slice3A_150 : vector<32x1xf32>
    %add3A_177 = vector.broadcast %sub3A_176 : vector<32x1xf32> to vector<32x128xf32>
    %add3A_178 = arith.addf %add3A_149, %add3A_177 : vector<32x128xf32>
    %slice3A_179 = vector.extract_strided_slice %add3A_175 {offsets = [31, 0], sizes = [1, 1], strides = [1, 1]} : vector<32x1xf32> to vector<1x1xf32>
    %sub3A_180 = arith.subf %add3A_178, %get3A_114 : vector<32x128xf32>
    %iota3A_181 = tpu.iota {dimensions = array<i32: 0>} : vector<32x128xi32>
    %mul3A_182 = arith.constant 128 : i32
    %mul3A_183 = vector.broadcast %mul3A_182 : i32 to vector<32x128xi32>
    %mul3A_184 = arith.muli %iota3A_181, %mul3A_183 : vector<32x128xi32>
    %iota3A_185 = tpu.iota {dimensions = array<i32: 1>} : vector<32x128xi32>
    %add3A_186 = arith.addi %mul3A_184, %iota3A_185 : vector<32x128xi32>
    %convert_element_type3A = arith.sitofp %add3A_186 : vector<32x128xi32> to vector<32x128xf32>
    %gt3A = arith.constant 0.000000e+00 : f32
    %gt3A_187 = vector.broadcast %gt3A : f32 to vector<32x128xf32>
    %gt3A_188 = arith.cmpf ogt, %get3A_114, %gt3A_187 : vector<32x128xf32>
    %sub3A_189 = arith.subf %convert_element_type3A, %sub3A_180 : vector<32x128xf32>
    %add3A_190 = vector.broadcast %slice3A_179 : vector<1x1xf32> to vector<32x128xf32>
    %add3A_191 = arith.addf %add3A_190, %sub3A_189 : vector<32x128xf32>
    %select_n3A_192 = arith.select %gt3A_188, %sub3A_180, %add3A_191 : vector<32x128xi1>, vector<32x128xf32>
    %convert_element_type3A_193 = arith.fptosi %select_n3A_192 : vector<32x128xf32> to vector<32x128xi32>
    %swap3A_194 = arith.constant 0 : index
    %swap3A_195 = arith.constant 0 : index
    %swap3A_196 = vector.load %arg10[%swap3A_194, %swap3A_195] : memref<32x128xi32, #tpu.memory_space<vmem>>, vector<32x128xi32>
    tpu.vector_store %arg10[%swap3A_194, %swap3A_195], %convert_element_type3A_193 {strides = array<i32>} : memref<32x128xi32, #tpu.memory_space<vmem>>, vector<32x128xi32>,
    %convert_element_type3A_197 = arith.fptosi %slice3A_179 : vector<1x1xf32> to vector<1x1xi32>
    %swap3A_198 = arith.constant 0 : index
    %swap3A_199 = arith.constant 0 : index
    %swap3A_200 = vector.load %arg11[%swap3A_198, %swap3A_199] : memref<1x1xi32, #tpu.memory_space<vmem>>, vector<1x1xi32>
    tpu.vector_store %arg11[%swap3A_198, %swap3A_199], %convert_element_type3A_197 {strides = array<i32>} : memref<1x1xi32, #tpu.memory_space<vmem>>, vector<1x1xi32>,
    return
  }
}

module attributes {stable_mosaic.version = 14 : i64} {
  func.func @_flash_body(%arg0: i32, %arg1: i32, %arg2: memref<1xi32, #tpu.memory_space<smem>>, %arg3: memref<512x384xf32, #tpu.memory_space<vmem>>, %arg4: memref<512x256xf32, #tpu.memory_space<vmem>>, %arg5: memref<256x6400xbf16, #tpu.memory_space<vmem>>, %arg6: memref<256x1024xbf16, #tpu.memory_space<vmem>>, %arg7: memref<1x1024xf32, #tpu.memory_space<vmem>>, %arg8: memref<512x1024xf32, #tpu.memory_space<vmem>>, %arg9: memref<1x1xf32, #tpu.memory_space<vmem>>, %arg10: memref<512x256xbf16, #tpu.memory_space<vmem>>, %arg11: memref<512x1xf32, #tpu.memory_space<vmem>>, %arg12: memref<512x1xf32, #tpu.memory_space<vmem>>, %arg13: memref<512x256xf32, #tpu.memory_space<vmem>>, %arg14: memref<1xf32, #tpu.memory_space<smem>>) attributes {dimension_semantics = [#tpu.dimension_semantics<arbitrary>, #tpu.dimension_semantics<arbitrary>], iteration_bounds = array<i64: 8, 16>, scalar_prefetch = 1 : i64, scratch_operands = 5 : i64, tpu.core_type = #tpu.core_type<tc>, window_params = [{transform_indices = @transform_0, window_bounds = array<i64: 512, 384>}, {transform_indices = @transform_1, window_bounds = array<i64: 512, 256>}, {transform_indices = @transform_2, window_bounds = array<i64: 256, 6400>}, {pipeline_mode = #tpu.pipeline_mode<synchronous>, transform_indices = @transform_3, window_bounds = array<i64: 256, 1024>}, {pipeline_mode = #tpu.pipeline_mode<synchronous>, transform_indices = @transform_4, window_bounds = array<i64: 1, 1024>}, {transform_indices = @transform_5, window_bounds = array<i64: 512, 1024>}, {pipeline_mode = #tpu.pipeline_mode<synchronous>, transform_indices = @transform_6, window_bounds = array<i64: 1, 1>}]} {
    %get3A = arith.constant 0 : index
    %get3A_0 = memref.load %arg2[%get3A] : memref<1xi32, #tpu.memory_space<smem>>
    %mul3A = arith.constant 512 : i32
    %mul3A_1 = arith.muli %arg0, %mul3A : i32
    %lt3A = arith.cmpi slt, %mul3A_1, %get3A_0 : i32
    %eq3A = arith.constant 0 : i32
    %eq3A_2 = arith.cmpi eq, %arg0, %eq3A : i32
    %eq3A_3 = arith.constant 0 : i32
    %eq3A_4 = arith.cmpi eq, %arg1, %eq3A_3 : i32
    %and3A = arith.andi %eq3A_2, %eq3A_4 : i1
    %convert_element_type3A = arith.extui %and3A : i1 to i32
    %cond3A = arith.constant 0 : i32
    %cond3A_5 = arith.cmpi ne, %convert_element_type3A, %cond3A : i32
    scf.if %cond3A_5 {
      %swap3A = arith.constant 0.000000e+00 : f32
      %swap3A_33 = arith.constant 0 : index
      %swap3A_34 = memref.load %arg14[%swap3A_33] : memref<1xf32, #tpu.memory_space<smem>>
      memref.store %swap3A, %arg14[%swap3A_33] : memref<1xf32, #tpu.memory_space<smem>>
    } else {
    }
    %lt3A_6 = arith.constant 15 : i32
    %lt3A_7 = arith.cmpi slt, %arg1, %lt3A_6 : i32
    %and3A_8 = arith.andi %lt3A, %lt3A_7 : i1
    %convert_element_type3A_9 = arith.extui %and3A_8 : i1 to i32
    %cond3A_10 = arith.constant 0 : i32
    %cond3A_11 = arith.cmpi ne, %convert_element_type3A_9, %cond3A_10 : i32
    scf.if %cond3A_11 {
      %eq3A_33 = arith.constant 0 : i32
      %eq3A_34 = arith.cmpi eq, %arg1, %eq3A_33 : i32
      %convert_element_type3A_35 = arith.extui %eq3A_34 : i1 to i32
      %cond3A_36 = arith.constant 0 : i32
      %cond3A_37 = arith.cmpi ne, %convert_element_type3A_35, %cond3A_36 : i32
      scf.if %cond3A_37 {
        %get3A_86 = arith.constant 0 : index
        %get3A_87 = arith.constant 0 : index
        %get3A_88 = vector.load %arg3[%get3A_86, %get3A_87] : memref<512x384xf32, #tpu.memory_space<vmem>>, vector<512x256xf32>
        %get3A_89 = arith.constant 0 : index
        %get3A_90 = arith.constant 0 : index
        %get3A_91 = vector.load %arg4[%get3A_89, %get3A_90] : memref<512x256xf32, #tpu.memory_space<vmem>>, vector<512x256xf32>
        %add3A_92 = arith.addf %get3A_88, %get3A_91 : vector<512x256xf32>
        %convert_element_type3A_93 = arith.truncf %add3A_92 : vector<512x256xf32> to vector<512x256xbf16>
        %swap3A_94 = arith.constant 0 : index
        %swap3A_95 = arith.constant 0 : index
        %swap3A_96 = vector.load %arg10[%swap3A_94, %swap3A_95] : memref<512x256xbf16, #tpu.memory_space<vmem>>, vector<512x256xbf16>
        tpu.vector_store %arg10[%swap3A_94, %swap3A_95], %convert_element_type3A_93 {strides = array<i32>} : memref<512x256xbf16, #tpu.memory_space<vmem>>, vector<512x256xbf16>,
        %broadcast_in_dim3A_97 = arith.constant 0.000000e+00 : f32
        %broadcast_in_dim3A_98 = vector.broadcast %broadcast_in_dim3A_97 : f32 to vector<512x1xf32>
        %swap3A_99 = arith.constant 0 : index
        %swap3A_100 = arith.constant 0 : index
        %swap3A_101 = vector.load %arg11[%swap3A_99, %swap3A_100] : memref<512x1xf32, #tpu.memory_space<vmem>>, vector<512x1xf32>
        tpu.vector_store %arg11[%swap3A_99, %swap3A_100], %broadcast_in_dim3A_98 {strides = array<i32>} : memref<512x1xf32, #tpu.memory_space<vmem>>, vector<512x1xf32>,
        %broadcast_in_dim3A_102 = arith.constant 0.000000e+00 : f32
        %broadcast_in_dim3A_103 = vector.broadcast %broadcast_in_dim3A_102 : f32 to vector<512x1xf32>
        %swap3A_104 = arith.constant 0 : index
        %swap3A_105 = arith.constant 0 : index
        %swap3A_106 = vector.load %arg12[%swap3A_104, %swap3A_105] : memref<512x1xf32, #tpu.memory_space<vmem>>, vector<512x1xf32>
        tpu.vector_store %arg12[%swap3A_104, %swap3A_105], %broadcast_in_dim3A_103 {strides = array<i32>} : memref<512x1xf32, #tpu.memory_space<vmem>>, vector<512x1xf32>,
        %broadcast_in_dim3A_107 = arith.constant 0.000000e+00 : f32
        %broadcast_in_dim3A_108 = vector.broadcast %broadcast_in_dim3A_107 : f32 to vector<512x256xf32>
        %swap3A_109 = arith.constant 0 : index
        %swap3A_110 = arith.constant 0 : index
        %swap3A_111 = vector.load %arg13[%swap3A_109, %swap3A_110] : memref<512x256xf32, #tpu.memory_space<vmem>>, vector<512x256xf32>
        tpu.vector_store %arg13[%swap3A_109, %swap3A_110], %broadcast_in_dim3A_108 {strides = array<i32>} : memref<512x256xf32, #tpu.memory_space<vmem>>, vector<512x256xf32>,
      } else {
      }
      %get3A_38 = arith.constant 0 : index
      %get3A_39 = arith.constant 0 : index
      %get3A_40 = vector.load %arg10[%get3A_38, %get3A_39] : memref<512x256xbf16, #tpu.memory_space<vmem>>, vector<512x256xbf16>
      %get3A_41 = arith.constant 0 : index
      %get3A_42 = arith.constant 0 : index
      %get3A_43 = vector.load %arg5[%get3A_41, %get3A_42] : memref<256x6400xbf16, #tpu.memory_space<vmem>>, vector<256x6400xbf16>
      %dot_general3A = arith.constant dense<0.000000e+00> : vector<512x6400xf32>
      %dot_general3A_44 = tpu.matmul %get3A_40, %get3A_43, %dot_general3A {dimension_numbers = #tpu.dot_dimension_numbers<[1], [0], [0], [1], [0, 0, 1, 1], [], []>, transpose_lhs_hint = false} : vector<512x256xbf16>, vector<256x6400xbf16>, vector<512x6400xf32> -> vector<512x6400xf32>
      %min3A = arith.constant 6.000000e+01 : f32
      %min3A_45 = vector.broadcast %min3A : f32 to vector<512x6400xf32>
      %min3A_46 = arith.minimumf %dot_general3A_44, %min3A_45 : vector<512x6400xf32>
      %exp3A = math.exp %min3A_46 : vector<512x6400xf32>
      %get3A_47 = arith.constant 0 : index
      %get3A_48 = arith.constant 0 : index
      %get3A_49 = vector.load %arg11[%get3A_47, %get3A_48] : memref<512x1xf32, #tpu.memory_space<vmem>>, vector<512x1xf32>
      %reduce_sum3A = arith.constant dense<0.000000e+00> : vector<512xf32>
      %reduce_sum3A_50 = vector.multi_reduction <add>, %exp3A, %reduce_sum3A [1] : vector<512x6400xf32> to vector<512xf32>
      %broadcast_in_dim3A = vector.shape_cast %reduce_sum3A_50 : vector<512xf32> to vector<512x1xf32>
      %add3A = arith.addf %get3A_49, %broadcast_in_dim3A : vector<512x1xf32>
      %swap3A = arith.constant 0 : index
      %swap3A_51 = arith.constant 0 : index
      %swap3A_52 = vector.load %arg11[%swap3A, %swap3A_51] : memref<512x1xf32, #tpu.memory_space<vmem>>, vector<512x1xf32>
      tpu.vector_store %arg11[%swap3A, %swap3A_51], %add3A {strides = array<i32>} : memref<512x1xf32, #tpu.memory_space<vmem>>, vector<512x1xf32>,
      %get3A_53 = arith.constant 0 : index
      %get3A_54 = arith.constant 0 : index
      %get3A_55 = vector.load %arg13[%get3A_53, %get3A_54] : memref<512x256xf32, #tpu.memory_space<vmem>>, vector<512x256xf32>
      %convert_element_type3A_56 = arith.truncf %exp3A : vector<512x6400xf32> to vector<512x6400xbf16>
      %get3A_57 = arith.constant 0 : index
      %get3A_58 = arith.constant 0 : index
      %get3A_59 = vector.load %arg5[%get3A_57, %get3A_58] : memref<256x6400xbf16, #tpu.memory_space<vmem>>, vector<256x6400xbf16>
      %dot_general3A_60 = arith.constant dense<0.000000e+00> : vector<512x256xf32>
      %dot_general3A_61 = tpu.matmul %convert_element_type3A_56, %get3A_59, %dot_general3A_60 {dimension_numbers = #tpu.dot_dimension_numbers<[1], [1], [0], [0], [0, 0, 1, 0], [], []>, transpose_lhs_hint = false} : vector<512x6400xbf16>, vector<256x6400xbf16>, vector<512x256xf32> -> vector<512x256xf32>
      %add3A_62 = arith.addf %get3A_55, %dot_general3A_61 : vector<512x256xf32>
      %swap3A_63 = arith.constant 0 : index
      %swap3A_64 = arith.constant 0 : index
      %swap3A_65 = vector.load %arg13[%swap3A_63, %swap3A_64] : memref<512x256xf32, #tpu.memory_space<vmem>>, vector<512x256xf32>
      tpu.vector_store %arg13[%swap3A_63, %swap3A_64], %add3A_62 {strides = array<i32>} : memref<512x256xf32, #tpu.memory_space<vmem>>, vector<512x256xf32>,
      %iota3A = tpu.iota {dimensions = array<i32: 1>} : vector<512x6400xi32>
      %get3A_66 = arith.constant 0 : index
      %get3A_67 = arith.constant 256 : index
      %get3A_68 = vector.load %arg3[%get3A_66, %get3A_67] : memref<512x384xf32, #tpu.memory_space<vmem>>, vector<512x1xf32>
      %convert_element_type3A_69 = arith.fptosi %get3A_68 : vector<512x1xf32> to vector<512x1xi32>
      %mul3A_70 = arith.constant 6400 : i32
      %mul3A_71 = arith.muli %arg1, %mul3A_70 : i32
      %sub3A = vector.broadcast %mul3A_71 : i32 to vector<512x1xi32>
      %sub3A_72 = arith.subi %convert_element_type3A_69, %sub3A : vector<512x1xi32>
      %eq3A_73 = vector.broadcast %sub3A_72 : vector<512x1xi32> to vector<512x6400xi32>
      %eq3A_74 = arith.cmpi eq, %iota3A, %eq3A_73 : vector<512x6400xi32>
      %jit3A = arith.constant 0.000000e+00 : f32
      %broadcast_in_dim3A_75 = vector.broadcast %jit3A : f32 to vector<512x6400xf32>
      %select_n3A = arith.select %eq3A_74, %min3A_46, %broadcast_in_dim3A_75 : vector<512x6400xi1>, vector<512x6400xf32>
      %reduce_sum3A_76 = arith.constant dense<0.000000e+00> : vector<512xf32>
      %reduce_sum3A_77 = vector.multi_reduction <add>, %select_n3A, %reduce_sum3A_76 [1] : vector<512x6400xf32> to vector<512xf32>
      %broadcast_in_dim3A_78 = vector.shape_cast %reduce_sum3A_77 : vector<512xf32> to vector<512x1xf32>
      %get3A_79 = arith.constant 0 : index
      %get3A_80 = arith.constant 0 : index
      %get3A_81 = vector.load %arg12[%get3A_79, %get3A_80] : memref<512x1xf32, #tpu.memory_space<vmem>>, vector<512x1xf32>
      %add3A_82 = arith.addf %get3A_81, %broadcast_in_dim3A_78 : vector<512x1xf32>
      %swap3A_83 = arith.constant 0 : index
      %swap3A_84 = arith.constant 0 : index
      %swap3A_85 = vector.load %arg12[%swap3A_83, %swap3A_84] : memref<512x1xf32, #tpu.memory_space<vmem>>, vector<512x1xf32>
      tpu.vector_store %arg12[%swap3A_83, %swap3A_84], %add3A_82 {strides = array<i32>} : memref<512x1xf32, #tpu.memory_space<vmem>>, vector<512x1xf32>,
    } else {
    }
    %eq3A_12 = arith.constant 15 : i32
    %eq3A_13 = arith.cmpi eq, %arg1, %eq3A_12 : i32
    %and3A_14 = arith.andi %lt3A, %eq3A_13 : i1
    %convert_element_type3A_15 = arith.extui %and3A_14 : i1 to i32
    %cond3A_16 = arith.constant 0 : i32
    %cond3A_17 = arith.cmpi ne, %convert_element_type3A_15, %cond3A_16 : i32
    scf.if %cond3A_17 {
      %eq3A_33 = arith.constant 0 : i32
      %eq3A_34 = arith.cmpi eq, %arg1, %eq3A_33 : i32
      %convert_element_type3A_35 = arith.extui %eq3A_34 : i1 to i32
      %cond3A_36 = arith.constant 0 : i32
      %cond3A_37 = arith.cmpi ne, %convert_element_type3A_35, %cond3A_36 : i32
      scf.if %cond3A_37 {
        %get3A_144 = arith.constant 0 : index
        %get3A_145 = arith.constant 0 : index
        %get3A_146 = vector.load %arg3[%get3A_144, %get3A_145] : memref<512x384xf32, #tpu.memory_space<vmem>>, vector<512x256xf32>
        %get3A_147 = arith.constant 0 : index
        %get3A_148 = arith.constant 0 : index
        %get3A_149 = vector.load %arg4[%get3A_147, %get3A_148] : memref<512x256xf32, #tpu.memory_space<vmem>>, vector<512x256xf32>
        %add3A_150 = arith.addf %get3A_146, %get3A_149 : vector<512x256xf32>
        %convert_element_type3A_151 = arith.truncf %add3A_150 : vector<512x256xf32> to vector<512x256xbf16>
        %swap3A_152 = arith.constant 0 : index
        %swap3A_153 = arith.constant 0 : index
        %swap3A_154 = vector.load %arg10[%swap3A_152, %swap3A_153] : memref<512x256xbf16, #tpu.memory_space<vmem>>, vector<512x256xbf16>
        tpu.vector_store %arg10[%swap3A_152, %swap3A_153], %convert_element_type3A_151 {strides = array<i32>} : memref<512x256xbf16, #tpu.memory_space<vmem>>, vector<512x256xbf16>,
        %broadcast_in_dim3A_155 = arith.constant 0.000000e+00 : f32
        %broadcast_in_dim3A_156 = vector.broadcast %broadcast_in_dim3A_155 : f32 to vector<512x1xf32>
        %swap3A_157 = arith.constant 0 : index
        %swap3A_158 = arith.constant 0 : index
        %swap3A_159 = vector.load %arg11[%swap3A_157, %swap3A_158] : memref<512x1xf32, #tpu.memory_space<vmem>>, vector<512x1xf32>
        tpu.vector_store %arg11[%swap3A_157, %swap3A_158], %broadcast_in_dim3A_156 {strides = array<i32>} : memref<512x1xf32, #tpu.memory_space<vmem>>, vector<512x1xf32>,
        %broadcast_in_dim3A_160 = arith.constant 0.000000e+00 : f32
        %broadcast_in_dim3A_161 = vector.broadcast %broadcast_in_dim3A_160 : f32 to vector<512x1xf32>
        %swap3A_162 = arith.constant 0 : index
        %swap3A_163 = arith.constant 0 : index
        %swap3A_164 = vector.load %arg12[%swap3A_162, %swap3A_163] : memref<512x1xf32, #tpu.memory_space<vmem>>, vector<512x1xf32>
        tpu.vector_store %arg12[%swap3A_162, %swap3A_163], %broadcast_in_dim3A_161 {strides = array<i32>} : memref<512x1xf32, #tpu.memory_space<vmem>>, vector<512x1xf32>,
        %broadcast_in_dim3A_165 = arith.constant 0.000000e+00 : f32
        %broadcast_in_dim3A_166 = vector.broadcast %broadcast_in_dim3A_165 : f32 to vector<512x256xf32>
        %swap3A_167 = arith.constant 0 : index
        %swap3A_168 = arith.constant 0 : index
        %swap3A_169 = vector.load %arg13[%swap3A_167, %swap3A_168] : memref<512x256xf32, #tpu.memory_space<vmem>>, vector<512x256xf32>
        tpu.vector_store %arg13[%swap3A_167, %swap3A_168], %broadcast_in_dim3A_166 {strides = array<i32>} : memref<512x256xf32, #tpu.memory_space<vmem>>, vector<512x256xf32>,
      } else {
      }
      %get3A_38 = arith.constant 0 : index
      %get3A_39 = arith.constant 0 : index
      %get3A_40 = vector.load %arg10[%get3A_38, %get3A_39] : memref<512x256xbf16, #tpu.memory_space<vmem>>, vector<512x256xbf16>
      %get3A_41 = arith.constant 0 : index
      %get3A_42 = arith.constant 0 : index
      %get3A_43 = vector.load %arg5[%get3A_41, %get3A_42] : memref<256x6400xbf16, #tpu.memory_space<vmem>>, vector<256x6400xbf16>
      %dot_general3A = arith.constant dense<0.000000e+00> : vector<512x6400xf32>
      %dot_general3A_44 = tpu.matmul %get3A_40, %get3A_43, %dot_general3A {dimension_numbers = #tpu.dot_dimension_numbers<[1], [0], [0], [1], [0, 0, 1, 1], [], []>, transpose_lhs_hint = false} : vector<512x256xbf16>, vector<256x6400xbf16>, vector<512x6400xf32> -> vector<512x6400xf32>
      %min3A = arith.constant 6.000000e+01 : f32
      %min3A_45 = vector.broadcast %min3A : f32 to vector<512x6400xf32>
      %min3A_46 = arith.minimumf %dot_general3A_44, %min3A_45 : vector<512x6400xf32>
      %exp3A = math.exp %min3A_46 : vector<512x6400xf32>
      %mul3A_47 = arith.constant 6400 : i32
      %mul3A_48 = arith.muli %arg1, %mul3A_47 : i32
      %iota3A = tpu.iota {dimensions = array<i32: 1>} : vector<512x6400xi32>
      %add3A = vector.broadcast %mul3A_48 : i32 to vector<512x6400xi32>
      %add3A_49 = arith.addi %add3A, %iota3A : vector<512x6400xi32>
      %lt3A_50 = arith.constant 100000 : i32
      %lt3A_51 = vector.broadcast %lt3A_50 : i32 to vector<512x6400xi32>
      %lt3A_52 = arith.cmpi slt, %add3A_49, %lt3A_51 : vector<512x6400xi32>
      %jit3A = arith.constant 0.000000e+00 : f32
      %broadcast_in_dim3A = vector.broadcast %jit3A : f32 to vector<512x6400xf32>
      %select_n3A = arith.select %lt3A_52, %exp3A, %broadcast_in_dim3A : vector<512x6400xi1>, vector<512x6400xf32>
      %get3A_53 = arith.constant 0 : index
      %get3A_54 = arith.constant 0 : index
      %get3A_55 = vector.load %arg11[%get3A_53, %get3A_54] : memref<512x1xf32, #tpu.memory_space<vmem>>, vector<512x1xf32>
      %reduce_sum3A = arith.constant dense<0.000000e+00> : vector<512xf32>
      %reduce_sum3A_56 = vector.multi_reduction <add>, %select_n3A, %reduce_sum3A [1] : vector<512x6400xf32> to vector<512xf32>
      %broadcast_in_dim3A_57 = vector.shape_cast %reduce_sum3A_56 : vector<512xf32> to vector<512x1xf32>
      %add3A_58 = arith.addf %get3A_55, %broadcast_in_dim3A_57 : vector<512x1xf32>
      %swap3A = arith.constant 0 : index
      %swap3A_59 = arith.constant 0 : index
      %swap3A_60 = vector.load %arg11[%swap3A, %swap3A_59] : memref<512x1xf32, #tpu.memory_space<vmem>>, vector<512x1xf32>
      tpu.vector_store %arg11[%swap3A, %swap3A_59], %add3A_58 {strides = array<i32>} : memref<512x1xf32, #tpu.memory_space<vmem>>, vector<512x1xf32>,
      %get3A_61 = arith.constant 0 : index
      %get3A_62 = arith.constant 0 : index
      %get3A_63 = vector.load %arg13[%get3A_61, %get3A_62] : memref<512x256xf32, #tpu.memory_space<vmem>>, vector<512x256xf32>
      %convert_element_type3A_64 = arith.truncf %select_n3A : vector<512x6400xf32> to vector<512x6400xbf16>
      %get3A_65 = arith.constant 0 : index
      %get3A_66 = arith.constant 0 : index
      %get3A_67 = vector.load %arg5[%get3A_65, %get3A_66] : memref<256x6400xbf16, #tpu.memory_space<vmem>>, vector<256x6400xbf16>
      %dot_general3A_68 = arith.constant dense<0.000000e+00> : vector<512x256xf32>
      %dot_general3A_69 = tpu.matmul %convert_element_type3A_64, %get3A_67, %dot_general3A_68 {dimension_numbers = #tpu.dot_dimension_numbers<[1], [1], [0], [0], [0, 0, 1, 0], [], []>, transpose_lhs_hint = false} : vector<512x6400xbf16>, vector<256x6400xbf16>, vector<512x256xf32> -> vector<512x256xf32>
      %add3A_70 = arith.addf %get3A_63, %dot_general3A_69 : vector<512x256xf32>
      %swap3A_71 = arith.constant 0 : index
      %swap3A_72 = arith.constant 0 : index
      %swap3A_73 = vector.load %arg13[%swap3A_71, %swap3A_72] : memref<512x256xf32, #tpu.memory_space<vmem>>, vector<512x256xf32>
      tpu.vector_store %arg13[%swap3A_71, %swap3A_72], %add3A_70 {strides = array<i32>} : memref<512x256xf32, #tpu.memory_space<vmem>>, vector<512x256xf32>,
      %iota3A_74 = tpu.iota {dimensions = array<i32: 1>} : vector<512x6400xi32>
      %get3A_75 = arith.constant 0 : index
      %get3A_76 = arith.constant 256 : index
      %get3A_77 = vector.load %arg3[%get3A_75, %get3A_76] : memref<512x384xf32, #tpu.memory_space<vmem>>, vector<512x1xf32>
      %convert_element_type3A_78 = arith.fptosi %get3A_77 : vector<512x1xf32> to vector<512x1xi32>
      %mul3A_79 = arith.constant 6400 : i32
      %mul3A_80 = arith.muli %arg1, %mul3A_79 : i32
      %sub3A = vector.broadcast %mul3A_80 : i32 to vector<512x1xi32>
      %sub3A_81 = arith.subi %convert_element_type3A_78, %sub3A : vector<512x1xi32>
      %eq3A_82 = vector.broadcast %sub3A_81 : vector<512x1xi32> to vector<512x6400xi32>
      %eq3A_83 = arith.cmpi eq, %iota3A_74, %eq3A_82 : vector<512x6400xi32>
      %jit3A_84 = arith.constant 0.000000e+00 : f32
      %broadcast_in_dim3A_85 = vector.broadcast %jit3A_84 : f32 to vector<512x6400xf32>
      %select_n3A_86 = arith.select %eq3A_83, %min3A_46, %broadcast_in_dim3A_85 : vector<512x6400xi1>, vector<512x6400xf32>
      %reduce_sum3A_87 = arith.constant dense<0.000000e+00> : vector<512xf32>
      %reduce_sum3A_88 = vector.multi_reduction <add>, %select_n3A_86, %reduce_sum3A_87 [1] : vector<512x6400xf32> to vector<512xf32>
      %broadcast_in_dim3A_89 = vector.shape_cast %reduce_sum3A_88 : vector<512xf32> to vector<512x1xf32>
      %get3A_90 = arith.constant 0 : index
      %get3A_91 = arith.constant 0 : index
      %get3A_92 = vector.load %arg12[%get3A_90, %get3A_91] : memref<512x1xf32, #tpu.memory_space<vmem>>, vector<512x1xf32>
      %add3A_93 = arith.addf %get3A_92, %broadcast_in_dim3A_89 : vector<512x1xf32>
      %swap3A_94 = arith.constant 0 : index
      %swap3A_95 = arith.constant 0 : index
      %swap3A_96 = vector.load %arg12[%swap3A_94, %swap3A_95] : memref<512x1xf32, #tpu.memory_space<vmem>>, vector<512x1xf32>
      tpu.vector_store %arg12[%swap3A_94, %swap3A_95], %add3A_93 {strides = array<i32>} : memref<512x1xf32, #tpu.memory_space<vmem>>, vector<512x1xf32>,
      %get3A_97 = arith.constant 0 : index
      %get3A_98 = arith.constant 0 : index
      %get3A_99 = vector.load %arg11[%get3A_97, %get3A_98] : memref<512x1xf32, #tpu.memory_space<vmem>>, vector<512x1xf32>
      %get3A_100 = arith.constant 0 : index
      %get3A_101 = arith.constant 0 : index
      %get3A_102 = vector.load %arg13[%get3A_100, %get3A_101] : memref<512x256xf32, #tpu.memory_space<vmem>>, vector<512x256xf32>
      %div3A = vector.broadcast %get3A_99 : vector<512x1xf32> to vector<512x256xf32>
      %div3A_103 = arith.divf %get3A_102, %div3A : vector<512x256xf32>
      %convert_element_type3A_104 = arith.truncf %div3A_103 : vector<512x256xf32> to vector<512x256xbf16>
      %get3A_105 = arith.constant 0 : index
      %get3A_106 = arith.constant 0 : index
      %get3A_107 = vector.load %arg6[%get3A_105, %get3A_106] : memref<256x1024xbf16, #tpu.memory_space<vmem>>, vector<256x1024xbf16>
      %dot_general3A_108 = arith.constant dense<0.000000e+00> : vector<512x1024xf32>
      %dot_general3A_109 = tpu.matmul %convert_element_type3A_104, %get3A_107, %dot_general3A_108 {dimension_numbers = #tpu.dot_dimension_numbers<[1], [0], [0], [1], [0, 0, 1, 1], [], []>, transpose_lhs_hint = false} : vector<512x256xbf16>, vector<256x1024xbf16>, vector<512x1024xf32> -> vector<512x1024xf32>
      %get3A_110 = arith.constant 0 : index
      %get3A_111 = arith.constant 0 : index
      %get3A_112 = vector.load %arg7[%get3A_110, %get3A_111] : memref<1x1024xf32, #tpu.memory_space<vmem>>, vector<1x1024xf32>
      %add3A_113 = vector.broadcast %get3A_112 : vector<1x1024xf32> to vector<512x1024xf32>
      %add3A_114 = arith.addf %dot_general3A_109, %add3A_113 : vector<512x1024xf32>
      %mul3A_115 = arith.constant 512 : i32
      %mul3A_116 = arith.muli %arg0, %mul3A_115 : i32
      %iota3A_117 = tpu.iota {dimensions = array<i32: 0>} : vector<512x1xi32>
      %add3A_118 = vector.broadcast %mul3A_116 : i32 to vector<512x1xi32>
      %add3A_119 = arith.addi %add3A_118, %iota3A_117 : vector<512x1xi32>
      %lt3A_120 = vector.broadcast %get3A_0 : i32 to vector<512x1xi32>
      %lt3A_121 = arith.cmpi slt, %add3A_119, %lt3A_120 : vector<512x1xi32>
      %convert_element_type3A_122 = arith.extui %lt3A_121 : vector<512x1xi1> to vector<512x1xi32>
      %convert_element_type3A_123 = arith.sitofp %convert_element_type3A_122 : vector<512x1xi32> to vector<512x1xf32>
      %mul3A_124 = vector.broadcast %convert_element_type3A_123 : vector<512x1xf32> to vector<512x1024xf32>
      %mul3A_125 = arith.mulf %add3A_114, %mul3A_124 : vector<512x1024xf32>
      %swap3A_126 = arith.constant 0 : index
      %swap3A_127 = arith.constant 0 : index
      %swap3A_128 = vector.load %arg8[%swap3A_126, %swap3A_127] : memref<512x1024xf32, #tpu.memory_space<vmem>>, vector<512x1024xf32>
      tpu.vector_store %arg8[%swap3A_126, %swap3A_127], %mul3A_125 {strides = array<i32>} : memref<512x1024xf32, #tpu.memory_space<vmem>>, vector<512x1024xf32>,
      %get3A_129 = arith.constant 0 : index
      %get3A_130 = arith.constant 0 : index
      %get3A_131 = vector.load %arg12[%get3A_129, %get3A_130] : memref<512x1xf32, #tpu.memory_space<vmem>>, vector<512x1xf32>
      %log3A = math.log %get3A_99 : vector<512x1xf32>
      %sub3A_132 = arith.subf %get3A_131, %log3A : vector<512x1xf32>
      %mul3A_133 = arith.mulf %sub3A_132, %convert_element_type3A_123 : vector<512x1xf32>
      %get3A_134 = arith.constant 0 : index
      %get3A_135 = memref.load %arg14[%get3A_134] : memref<1xf32, #tpu.memory_space<smem>>
      %reduce_sum3A_136 = vector.shape_cast %mul3A_133 : vector<512x1xf32> to vector<1x512x1xf32>
      %reduce_sum3A_137 = arith.constant dense<0.000000e+00> : vector<1xf32>
      %reduce_sum3A_138 = vector.multi_reduction <add>, %reduce_sum3A_136, %reduce_sum3A_137 [1, 2] : vector<1x512x1xf32> to vector<1xf32>
      %reduce_sum3A_139 = vector.shape_cast %reduce_sum3A_138 : vector<1xf32> to vector<1x1x1xf32>
      %reduce_sum3A_140 = vector.extract %reduce_sum3A_139[0, 0, 0] : f32 from vector<1x1x1xf32>
      %add3A_141 = arith.addf %get3A_135, %reduce_sum3A_140 : f32
      %swap3A_142 = arith.constant 0 : index
      %swap3A_143 = memref.load %arg14[%swap3A_142] : memref<1xf32, #tpu.memory_space<smem>>
      memref.store %add3A_141, %arg14[%swap3A_142] : memref<1xf32, #tpu.memory_space<smem>>
    } else {
    }
    %not3A = arith.constant true
    %not3A_18 = arith.xori %lt3A, %not3A : i1
    %eq3A_19 = arith.constant 15 : i32
    %eq3A_20 = arith.cmpi eq, %arg1, %eq3A_19 : i32
    %and3A_21 = arith.andi %not3A_18, %eq3A_20 : i1
    %convert_element_type3A_22 = arith.extui %and3A_21 : i1 to i32
    %cond3A_23 = arith.constant 0 : i32
    %cond3A_24 = arith.cmpi ne, %convert_element_type3A_22, %cond3A_23 : i32
    scf.if %cond3A_24 {
      %broadcast_in_dim3A = arith.constant 0.000000e+00 : f32
      %broadcast_in_dim3A_33 = vector.broadcast %broadcast_in_dim3A : f32 to vector<512x1024xf32>
      %swap3A = arith.constant 0 : index
      %swap3A_34 = arith.constant 0 : index
      %swap3A_35 = vector.load %arg8[%swap3A, %swap3A_34] : memref<512x1024xf32, #tpu.memory_space<vmem>>, vector<512x1024xf32>
      tpu.vector_store %arg8[%swap3A, %swap3A_34], %broadcast_in_dim3A_33 {strides = array<i32>} : memref<512x1024xf32, #tpu.memory_space<vmem>>, vector<512x1024xf32>,
    } else {
    }
    %eq3A_25 = arith.constant 7 : i32
    %eq3A_26 = arith.cmpi eq, %arg0, %eq3A_25 : i32
    %eq3A_27 = arith.constant 15 : i32
    %eq3A_28 = arith.cmpi eq, %arg1, %eq3A_27 : i32
    %and3A_29 = arith.andi %eq3A_26, %eq3A_28 : i1
    %convert_element_type3A_30 = arith.extui %and3A_29 : i1 to i32
    %cond3A_31 = arith.constant 0 : i32
    %cond3A_32 = arith.cmpi ne, %convert_element_type3A_30, %cond3A_31 : i32
    scf.if %cond3A_32 {
      %convert_element_type3A_33 = arith.sitofp %get3A_0 : i32 to f32
      %gt3A = arith.constant 0 : i32
      %gt3A_34 = arith.cmpi sgt, %get3A_0, %gt3A : i32
      %get3A_35 = arith.constant 0 : index
      %get3A_36 = memref.load %arg14[%get3A_35] : memref<1xf32, #tpu.memory_space<smem>>
      %neg3A = arith.constant 0.000000e+00 : f32
      %neg3A_37 = arith.subf %neg3A, %get3A_36 : f32
      %max3A = arith.constant 1.000000e+00 : f32
      %max3A_38 = arith.maximumf %convert_element_type3A_33, %max3A : f32
      %div3A = arith.divf %neg3A_37, %max3A_38 : f32
      %jit3A = arith.constant 0.000000e+00 : f32
      %select_n3A = arith.select %gt3A_34, %div3A, %jit3A : f32
      %broadcast_in_dim3A = vector.broadcast %select_n3A : f32 to vector<1x1xf32>
      %swap3A = arith.constant 0 : index
      %swap3A_39 = arith.constant 0 : index
      %swap3A_40 = vector.load %arg9[%swap3A, %swap3A_39] : memref<1x1xf32, #tpu.memory_space<vmem>>, vector<1x1xf32>
      tpu.vector_store %arg9[%swap3A, %swap3A_39], %broadcast_in_dim3A {strides = array<i32>} : memref<1x1xf32, #tpu.memory_space<vmem>>, vector<1x1xf32>,
    } else {
    }
    return
  }
  func.func @transform_0(%arg0: i32, %arg1: i32, %arg2: memref<1xi32, #tpu.memory_space<smem>>) -> (i32, i32) {
    %c0_i32 = arith.constant 0 : i32
    %c0_i32_0 = arith.constant 0 : i32
    return %arg0, %c0_i32 : i32, i32
  }
  func.func @transform_1(%arg0: i32, %arg1: i32, %arg2: memref<1xi32, #tpu.memory_space<smem>>) -> (i32, i32) {
    %c0_i32 = arith.constant 0 : i32
    %c0_i32_0 = arith.constant 0 : i32
    return %arg0, %c0_i32 : i32, i32
  }
  func.func @transform_2(%arg0: i32, %arg1: i32, %arg2: memref<1xi32, #tpu.memory_space<smem>>) -> (i32, i32) {
    %mul3A = arith.constant 512 : i32
    %mul3A_0 = arith.muli %arg0, %mul3A : i32
    %get3A = arith.constant 0 : index
    %get3A_1 = memref.load %arg2[%get3A] : memref<1xi32, #tpu.memory_space<smem>>
    %lt3A = arith.cmpi slt, %mul3A_0, %get3A_1 : i32
    %jit3A = arith.constant 0 : i32
    %select_n3A = arith.select %lt3A, %arg1, %jit3A : i32
    %c0_i32 = arith.constant 0 : i32
    %c0_i32_2 = arith.constant 0 : i32
    return %c0_i32, %select_n3A : i32, i32
  }
  func.func @transform_3(%arg0: i32, %arg1: i32, %arg2: memref<1xi32, #tpu.memory_space<smem>>) -> (i32, i32) {
    %c0_i32 = arith.constant 0 : i32
    %c0_i32_0 = arith.constant 0 : i32
    %c0_i32_1 = arith.constant 0 : i32
    return %c0_i32, %c0_i32_0 : i32, i32
  }
  func.func @transform_4(%arg0: i32, %arg1: i32, %arg2: memref<1xi32, #tpu.memory_space<smem>>) -> (i32, i32) {
    %c0_i32 = arith.constant 0 : i32
    %c0_i32_0 = arith.constant 0 : i32
    %c0_i32_1 = arith.constant 0 : i32
    return %c0_i32, %c0_i32_0 : i32, i32
  }
  func.func @transform_5(%arg0: i32, %arg1: i32, %arg2: memref<1xi32, #tpu.memory_space<smem>>) -> (i32, i32) {
    %c0_i32 = arith.constant 0 : i32
    %c0_i32_0 = arith.constant 0 : i32
    return %arg0, %c0_i32 : i32, i32
  }
  func.func @transform_6(%arg0: i32, %arg1: i32, %arg2: memref<1xi32, #tpu.memory_space<smem>>) -> (i32, i32) {
    %c0_i32 = arith.constant 0 : i32
    %c0_i32_0 = arith.constant 0 : i32
    %c0_i32_1 = arith.constant 0 : i32
    return %c0_i32, %c0_i32_0 : i32, i32
  }
}

</mosaic_0001>

<sc_bundles>
// kernel: kernel.6.cloned.1.call-start
scs
__scs_entry_jumppad:
0x0: {  	(pc) =	sbr.rel $0x88, $3  }
0x1: {  	(tag) =	ssettag $0x0;
	lr =	simm.s32 $0x1  }
0x2: {  	[smem:$0x3F99] =	sst lr;
	_ =	strace $0xD0000000  }
0x3: {  	_ = 	snop  }
0x4: {  	_ = 	snop  }
0x5: {  	_ = 	snop  }
0x6: {  	_ = 	snop  }
0x7: {  	_ = 	snop  }
__scs_overlays_trampoline_lowered:
0x8: {  	[smem:$0x3FA8] =	sst s0  }
0x9: {  	[smem:$0x3FA9] =	sst s1  }
0xa: {  	[smem:$0x3FAA] =	sst s2  }
0xb: {  	[smem:$0x3FAB] =	sst s3  }
0xc: {  	[smem:$0x3FAC] =	sst s4  }
0xd: {  	[smem:$0x3FAD] =	sst s5  }
0xe: {  	[smem:$0x3FAE] =	sst s6  }
0xf: {  	[smem:$0x3FAF] =	sst s7  }
0x10: {  	[smem:$0x3FB0] =	sst s8  }
0x11: {  	[smem:$0x3FB1] =	sst s9;
	s0 =	simm.s32 @!p0 $0x0  }
0x12: {  	s1 =	sld [smem:$0x3F97];
	s0 =	simm.s32 @p0 $0x1  }
0x13: {  	[smem:$0x3FB2] =	sst s0;
	s0 =	simm.s32 @!p1 $0x0  }
0x14: {  	s2 =	sld [smem:$0x3F96];
	s0 =	simm.s32 @p1 $0x1  }
0x15: {  	[smem:$0x3FB3] =	sst s0;
	s0 =	simm.s32 @!p2 $0x0  }
0x16: {  	s3 =	sld [smem:$0x3FDB];
	s0 =	simm.s32 @p2 $0x1  }
0x17: {  	s4 =	simm.s32 $0x1BF5;
	[smem:$0x3FB5] =	sst s0  }
0x18: {  	s0 =	sld [smem:$0x3F98];
	_ =	swait.ge [sflag:s4], $0x0  }
0x19: {  	s7 =	sld [smem:$0x3F99]  }
0x1a: {  	s8 =	sadd.s32 $0xFFFFE003, lr  }
0x1b: {  	s9 =	sadd.s32 $0xFFFFFEF7, lr;
	s5 =	simm.s32 $0xFFFFFFFF;
	p2 =	slt.u32 s8, $0xFFFFF086  }
0x1c: {  	p1 =	slt.u32 s9, $0xF7A;
	s5 =	simm.s32 @!p2 $0x0  }
0x1d: {  	s5 =	simm.s32 @p1 $0x1;
	p0 =	seq.s32 s7, s2  }
0x1e: {  	s7 =	smul.u32 @!p0 $0xF7A, s2;
	p2 =	seq.s32 @!p0 s5, $0x0  }
0x1f: {  	s9 =	smul.u32 $0xF7A, s1;
	s8 =	simm.s32 @!p0 $0x1BF5;
	p2 =	por !p2, p0  }
0x20: {  	[sflag:s8] =	ssyncset.s32 @!p0 $0xFFFFF086;
	s6 =	sadd.s32 @!p0 s3, s7;
	s7 =	simm.s32 @!p0 $0x108  }
0x21: {  	s3 =	sadd.s32 s3, s9;
	s6 =	sadd.s32 @!p0 $0x88, s6;
	s7 =	simm.s32 @p2 $0x1082  }
0x22: {  	[simem:s7], [sflag:s8] =	dma.local @!p0 [hbm:s6], $0xF7A  }
0x23: {  	s9 =	sor.u32 $0xD0000000, s2;
	s6 =	simm.s32 $0x108;
	_ =	swait.ge @!p0 [sflag:s8], $0x0  }
0x24: {  	s3 =	sadd.s32 $0x88, s3;
	s6 =	simm.s32 @!p1 $0x1082;
	[sflag:s4] =	ssyncset.s32 $0xFFFFF086  }
0x25: {  	[simem:s6], [sflag:s4] =	dma.local [hbm:s3], $0xF7A  }
0x26: {  	[smem:$0x3F99] =	sst s1;
	(tag) =	ssettag s2;
	_ =	strace s9  }
0x27: {  	s1 =	sld [smem:$0x3FA9]  }
0x28: {  	s2 =	sld [smem:$0x3FAA]  }
0x29: {  	s4 =	sld [smem:$0x3FAC]  }
0x2a: {  	p0 =	seq.s32 s5, $0x0;
	s5 =	sld [smem:$0x3FAD]  }
0x2b: {  	s6 =	sld [smem:$0x3FAE]  }
0x2c: {  	s7 =	sld [smem:$0x3FAF]  }
0x2d: {  	s3 =	simm.s32 $0x108;
	s8 =	sld [smem:$0x3FB0]  }
0x2e: {  	s3 =	simm.s32 @!p0 $0x1082;
	s9 =	sld [smem:$0x3FB1]  }
0x2f: {  	lr =	sadd.s32 s0, s3;
	s0 =	sld [smem:$0x3FA8]  }
0x30: {  	s3 =	sld [smem:$0x3FAB]  }
0x31: {  	[smem:$0x3FB4] =	sst s10  }
0x32: {  	s10 =	sld [smem:$0x3FB2];
	_ =	sdelay $0x3  }
0x33: {  	p0 =	seq.s32 s10, $0x1;
	s10 =	sld [smem:$0x3FB4];
	_ =	sdelay $0x3  }
0x34: {  	[smem:$0x3FB4] =	sst s10  }
0x35: {  	s10 =	sld [smem:$0x3FB3];
	_ =	sdelay $0x3  }
0x36: {  	p1 =	seq.s32 s10, $0x1;
	s10 =	sld [smem:$0x3FB4];
	_ =	sdelay $0x3  }
0x37: {  	[smem:$0x3FB4] =	sst s10  }
0x38: {  	s10 =	sld [smem:$0x3FB5]  }
0x39: {  	_ = 	snop;
	(pc) =	sbr.ind lr, $3  }
0x3a: {  	_ = 	snop  }
0x3b: {  	_ = 	snop  }
0x3c: {  	p2 =	seq.s32 s10, $0x1;
	s10 =	sld [smem:$0x3FB4]  }
0x3d: {  	_ =	shalt  }
0x3e: {  	_ =	shalt  }
0x3f: {  	_ =	shalt  }
0x40: {  	_ =	shalt  }
0x41: {  	_ =	shalt  }
0x42: {  	_ =	shalt  }
0x43: {  	_ =	shalt  }
0x44: {  	_ =	shalt  }
0x45: {  	_ =	shalt  }
0x46: {  	_ =	shalt  }
0x47: {  	_ =	shalt  }
0x48: {  	_ =	shalt  }
0x49: {  	_ =	shalt  }
0x4a: {  	_ =	shalt  }
0x4b: {  	_ =	shalt  }
0x4c: {  	_ =	shalt  }
0x4d: {  	_ =	shalt  }
0x4e: {  	_ =	shalt  }
0x4f: {  	_ =	shalt  }
0x50: {  	_ =	shalt  }
0x51: {  	_ =	shalt  }
0x52: {  	_ =	shalt  }
0x53: {  	_ =	shalt  }
0x54: {  	_ =	shalt  }
0x55: {  	_ =	shalt  }
0x56: {  	_ =	shalt  }
0x57: {  	_ =	shalt  }
0x58: {  	_ =	shalt  }
0x59: {  	_ =	shalt  }
0x5a: {  	_ =	shalt  }
0x5b: {  	_ =	shalt  }
0x5c: {  	_ =	shalt  }
0x5d: {  	_ =	shalt  }
0x5e: {  	_ =	shalt  }
0x5f: {  	_ =	shalt  }
0x60: {  	_ =	shalt  }
0x61: {  	_ =	shalt  }
0x62: {  	_ =	shalt  }
0x63: {  	_ =	shalt  }
0x64: {  	_ =	shalt  }
0x65: {  	_ =	shalt  }
0x66: {  	_ =	shalt  }
0x67: {  	_ =	shalt  }
0x68: {  	_ =	shalt  }
0x69: {  	_ =	shalt  }
0x6a: {  	_ =	shalt  }
0x6b: {  	_ =	shalt  }
0x6c: {  	_ =	shalt  }
0x6d: {  	_ =	shalt  }
0x6e: {  	_ =	shalt  }
0x6f: {  	_ =	shalt  }
0x70: {  	_ =	shalt  }
0x71: {  	_ =	shalt  }
0x72: {  	_ =	shalt  }
0x73: {  	_ =	shalt  }
0x74: {  	_ =	shalt  }
0x75: {  	_ =	shalt  }
0x76: {  	_ =	shalt  }
0x77: {  	_ =	shalt  }
0x78: {  	_ =	shalt  }
0x79: {  	_ =	shalt  }
0x7a: {  	_ =	shalt  }
0x7b: {  	_ =	shalt  }
0x7c: {  	_ =	shalt  }
0x7d: {  	_ =	shalt  }
0x7e: {  	_ =	shalt  }
0x7f: {  	_ =	shalt  }
0x80: {  	_ =	shalt  }
0x81: {  	_ =	shalt  }
0x82: {  	_ =	shalt  }
0x83: {  	_ =	shalt  }
0x84: {  	_ =	shalt  }
0x85: {  	_ =	shalt  }
0x86: {  	_ =	shalt  }
0x87: {  	_ =	shalt  }
.Lfunc_end0:
.L_simem_size_0:
called_computation.1_lowered:
.L_overlay_start_0:
0x88: {  	s2 =	sld [smem:$0x3FD9]  }
0x89: {  	s3 =	sld [smem:$0x3FFE];
	_ =	sdelay $0x1  }
0x8a: {  	s1 =	srdreg.scid  }
0x8b: {  	s0 =	sand.u32 $0x1, s1  }
0x8c: {  	s15 =	sshll.u32 s0, $0xA;
	s2 =	sadd.s32 s3, s2  }
0x8d: {  	s2 =	sadd.s32 s2, s15  }
0x8e: {  	[smem:$0x3FC0] =	sst s2  }
0x8f: {  	_ = 	snop  }
0x90: {  	s2 =	sld [smem:$0x3FD0];
	_ =	sdelay $0x2  }
0x91: {  	s16 =	simm.s32 $0xB;
	s4 =	simm.s32 $0x10  }
0x92: {  	[smem:s4], [sflag:s16] =	dma.local [hbm:s2], $0x1  }
0x93: {  	_ =	swait.eq [sflag:s16], $0x1  }
0x94: {  	[sflag:s16] =	ssyncset.done $0x0  }
0x95: {  	[sflag:s16] =	ssyncadd.s32 $0xFFFFFFFF  }
0x96: {  	s17 =	sld [smem:$0x11];
	(tm) =	ssettm $0x1  }
0x97: {  	s18 =	sld [smem:$0x3FFB];
	_ =	sdelay $0x3  }
0x98: {  	_ =	strace s18  }
0x99: {  	s2 =	sld [smem:$0x3FFC];
	_ =	sdelay $0x3  }
0x9a: {  	_ =	strace s2  }
0x9b: {  	s2 =	sld [smem:$0x3FFD];
	_ =	sdelay $0x3  }
0x9c: {  	_ =	strace s2  }
0x9d: {  	_ =	strace $0x8FFFFFFF  }
0x9e: {  	s19 =	sld [smem:$0x3FDB];
	_ =	sdelay $0x1  }
0x9f: {  	s20 =	simm.s32 $_scs_section_size  }
0xa0: {  	s5 =	simm.s32 $_size__tile_overlayer_lowered;
	s6 =	simm.s32 $_tile_overlayer_lowered  }
0xa1: {  	s7 =	simm.s32 $0x1BFF;
	s21 =	sshll.u32 s6, $0x1;
	s4 =	sadd.s32 s20, s19  }
0xa2: {  	s22 =	simm.s32 $0x0;
	s5 =	sshll.u32 s5, $0x1;
	s6 =	sadd.s32 s21, s4  }
0xa3: {  	[timem:s22], [sflag:s7] =	dma.local [hbm:s6], s5  }
0xa4: {  	_ =	swait.ge [sflag:s7], s5  }
0xa5: {  	s5 =	ssub.s32 $0x0, s5;
	[sflag:s7] =	ssyncset.done $0x0  }
0xa6: {  	[sflag:s7] =	ssyncadd.s32 s5;
	_ =	sdelay $0x1  }
0xa7: {  	s23 =	simm.s32 $0x1B8B  }
0xa8: {  	_ =	swait.ge [sflag:s23], $0x1  }
0xa9: {  	[sflag:s23] =	ssyncset.done $0x0  }
0xaa: {  	[sflag:s23] =	ssyncadd.s32 $0xFFFFFFFF  }
0xab: {  	s5 =	sld [smem:$0x0]  }
0xac: {  	s6 =	sand.u32 $0xFFFFFFFE, s1  }
0xad: {  	p0 =	sne.s32 s1, s6  }
0xae: {  	s6 =	sshll.u32 @p0 s6, $0xE  }
0xaf: {  	s6 =	sadd.s32 @p0 $0x11B8D, s6;
	s7 =	sshll.u32 @p0 s5, $0x11  }
0xb0: {  	s6 =	sor.u32 @p0 s7, s6  }
0xb1: {  	[sflag:s6] =	ssyncadd.remote.s32 @p0 $0x1;
	_ =	sdelay $0x1  }
0xb2: {  	s6 =	simm.s32 @p0 $0x1B8D  }
0xb3: {  	_ =	swait.eq @p0 [sflag:s6], $0x1  }
0xb4: {  	[sflag:s6] =	ssyncadd.s32 @p0 $0xFFFFFFFF  }
0xb5: {  	s7 =	sshll.u32 @!p0 s1, $0xE  }
0xb6: {  	s7 =	sor.u32 @!p0 $0x4000, s7;
	s6 =	simm.s32 @!p0 $0x1B8D  }
0xb7: {  	s5 =	sshll.u32 @!p0 s5, $0x11;
	s7 =	sadd.s32 @!p0 $0x11B8D, s7;
	_ =	swait.eq @!p0 [sflag:s6], $0x1  }
0xb8: {  	s5 =	sor.u32 @!p0 s5, s7;
	[sflag:s6] =	ssyncadd.s32 @!p0 $0xFFFFFFFF  }
0xb9: {  	s25 =	simm.s32 $0x1B8E;
	s24 =	sld [smem:$0x3FFE];
	[sflag:s5] =	ssyncadd.remote.s32 @!p0 $0x1  }
0xba: {  	s26 =	simm.s32 $execute0_lowered;
	[smem:$0x3FD2] =	sst s25  }
0xbb: {  	s6 =	sshll.u32 s26, $0x1;
	_ =	strace $0x80000049;
	[dreg:$0x1] =	wrdreg $0xFFFFFFFF  }
0xbc: {  	s28 =	simm.s32 $_size_execute0_lowered;
	s4 =	sadd.s32 s4, s6;
	[dreg:$0x0] =	wrdreg $0x0  }
0xbd: {  	s6 =	sshll.u32 s28, $0x1;
	[dreg:$0x2] =	wrdreg s4  }
0xbe: {  	[dreg:$0x3] =	wrdreg s6  }
0xbf: {  	[dreg:$0x4] =	wrdreg $0xC0  }
0xc0: {  	_ =	task [dreg:s22], $0x5FFFF  }
0xc1: {  	[dreg:$0x1] =	wrdreg $0xFFFFFFFF  }
0xc2: {  	[dreg:$0x0] =	wrdreg $0x60  }
0xc3: {  	[dreg:$0x2] =	wrdreg s17  }
0xc4: {  	[dreg:$0x3] =	wrdreg s24  }
0xc5: {  	[dreg:$0x4] =	wrdreg $0xA  }
0xc6: {  	_ =	task.clear_ibuf [dreg:s22], $0x5FFFF;
	_ =	strace $0x90000049  }
0xc7: {  	s29 =	simm.s32 $0xA;
	_ =	strace $0x8000004B  }
0xc8: {  	_ =	swait.ge [sflag:s29], $0x1  }
0xc9: {  	[sflag:s29] =	ssyncadd.s32 $0xFFFFFFFF  }
0xca: {  	_ =	strace $0x9000004B  }
0xcb: {  	_ =	sfence  }
0xcc: {  	s30 =	sld [smem:$0x0];
	_ =	sdelay $0x2  }
0xcd: {  	s31 =	sshll.u32 s1, $0xD;
	s1 =	sshrl.u32 s1, $0x2  }
0xce: {  	s4 =	sand.u32 $0x4000, s31;
	s1 =	sadd.s32 s1, s30  }
0xcf: {  	s0 =	sor.u32 s4, s0;
	s1 =	sshll.u32 s1, $0x11  }
0xd0: {  	s0 =	sor.u32 s1, s0  }
0xd1: {  	s0 =	sadd.s32 $0x8F2B, s0  }
0xd2: {  	[sflag:s0] =	ssyncadd.remote.s32 $0x1  }
0xd3: {  	_ =	sfence.sel $0xFFFF  }
0xd4: {  	[dreg:$0x0] =	wrdreg $0xFFFFFFFF;
	(pc) =	sbr.abs _section_cstart, $3  }
0xd5: {  	[dreg:$0x1] =	wrdreg $0xFFFFFFFF  }
0xd6: {  	_ =	task.clear_ibuf [dreg:s22], $0x2FFFF;
	_ =	strace $0x9FFFFFFF  }
0xd7: {  	(tm) =	ssettm $0x7FFFFFFF  }
tec
execute0_lowered:
.L_overlay_start_1:
0x0: {  	(tag) =	ssettag $0x1  }
0x1: {  	s0 =	rddreg [dreg:$0x0];
	s2 =	srdreg.scid  }
0x2: {  	s6 =	rddreg [dreg:$0x1];
	s7 =	sand.u32 $0x1, s2;
	s2 =	simm.s32 $0x0  }
0x3: {  	s21 =	simm.s32 $0x80;
	[smem:$0x7FF] =	sst s2  }
0x4: {  	s22 =	simm.s32 $0x900;
	_ =	strace $0x8000004A;
	[dreg:$0x6] =	wrdreg s21  }
0x5: {  	s23 =	simm.s32 $0xD00;
	[dreg:$0x7] =	wrdreg s22  }
0x6: {  	s24 =	simm.s32 $0x1500;
	[dreg:$0x8] =	wrdreg s23  }
0x7: {  	s1 =	stileid.u32;
	s25 =	simm.s32 $0x1900;
	[dreg:$0x9] =	wrdreg s24  }
0x8: {  	s26 =	simm.s32 $0x2100;
	s28 =	simm.s32 $0x2500;
	[dreg:$0xa] =	wrdreg s25  }
0x9: {  	s9 =	simm.s32 $0x3100;
	s10 =	simm.s32 $0x3900;
	[dreg:$0xb] =	wrdreg s26  }
0xa: {  	s3 =	sshll.u32 s1, $0x5;
	s1 =	simm.s32 $0x2D00;
	[dreg:$0xc] =	wrdreg s28  }
0xb: {  	s11 =	simm.s32 $0x3D00;
	s12 =	simm.s32 $0x4500;
	[dreg:$0xd] =	wrdreg s1  }
0xc: {  	s13 =	simm.s32 $0x4900;
	s14 =	simm.s32 $0x5100;
	[dreg:$0xe] =	wrdreg s9  }
0xd: {  	s15 =	simm.s32 $0x5500;
	s16 =	simm.s32 $0x5D00;
	[dreg:$0xf] =	wrdreg s10  }
0xe: {  	s17 =	simm.s32 $0x6100;
	s18 =	simm.s32 $0x6900;
	[dreg:$0x10] =	wrdreg s11  }
0xf: {  	s19 =	simm.s32 $0x6D00;
	s20 =	simm.s32 $0x7500;
	[dreg:$0x11] =	wrdreg s12  }
0x10: {  	s29 =	simm.s32 $0xA900;
	s30 =	simm.s32 $0xB100;
	[dreg:$0x12] =	wrdreg s13  }
0x11: {  	s31 =	simm.s32 $0xB500;
	s4 =	sshll.u32 s7, $0x4;
	[dreg:$0x13] =	wrdreg s14  }
0x12: {  	s7 =	ssub.s32 $0x2, s7;
	s3 =	sor.u32 s4, s3;
	[dreg:$0x14] =	wrdreg s15  }
0x13: {  	s8 =	sshrl.u32 s7, $0x1;
	s9 =	simm.s32 $0x100;
	[dreg:$0x15] =	wrdreg s16  }
0x14: {  	s10 =	simm.s32 $0xC100;
	s11 =	simm.s32 $0xC900;
	[dreg:$0x16] =	wrdreg s17  }
0x15: {  	s12 =	simm.s32 $0xD100;
	s13 =	simm.s32 $0xD900;
	[dreg:$0x17] =	wrdreg s18  }
0x16: {  	s14 =	simm.s32 $0xE100;
	s15 =	simm.s32 $0xE900;
	[dreg:$0x18] =	wrdreg s19  }
0x17: {  	s16 =	simm.s32 $0xF100;
	s17 =	simm.s32 $0xF900;
	[dreg:$0x19] =	wrdreg s20  }
0x18: {  	s21 =	simm.s32 $0x7900;
	s18 =	simm.s32 $0x10100;
	s22 =	simm.s32 $0x8100  }
0x19: {  	s19 =	simm.s32 $0x10900;
	s23 =	simm.s32 $0x8500;
	s20 =	simm.s32 $0x11100  }
0x1a: {  	s24 =	simm.s32 $0x8D00;
	s25 =	simm.s32 $0x9100;
	[dreg:$0x1a] =	wrdreg s21  }
0x1b: {  	s26 =	simm.s32 $0x9900;
	s28 =	simm.s32 $0x9D00;
	[dreg:$0x1b] =	wrdreg s22  }
0x1c: {  	s4 =	sadd.s32 s3, s6;
	s3 =	smul.u32 $0x180, s3;
	[dreg:$0x1c] =	wrdreg s23  }
0x1d: {  	s7 =	ssub.s32 s7, s8;
	s8 =	simm.s32 $0x2;
	[dreg:$0x1d] =	wrdreg s24  }
0x1e: {  	s21 =	simm.s32 $0x11900;
	s22 =	simm.s32 $0x12100;
	[dreg:$0x1e] =	wrdreg s25  }
0x1f: {  	s23 =	simm.s32 $0x12900;
	[dreg:$0x1f] =	wrdreg s26;
	s24 =	simm.s32 $0x13100  }
0x20: {  	[smem:$0x7FD] =	sst s28;
	s25 =	simm.s32 $0x13900;
	s26 =	simm.s32 $0x1  }
0x21: {  	s5 =	sadd.s32 $0x330800, s4;
	s4 =	sadd.s32 $0x330A00, s4;
	s7 =	smax.u32 s7, $0x1  }
0x22: {  	v2 =	vlaneseq.u32;
	[dreg:$0x3] =	wrdreg s5;
	s0 =	sadd.s32 s0, s3;
	s3 =	sadd.s32 $0x310800, s6  }
0x23: {  	vm0 =	vmmov $0xffff;
	vm1 =	vmmov $0xff;
	v1 =	vshrl.u32 v2, $0x3;
	[dreg:$0x4] =	wrdreg s4;
	s4 =	sadd.s32 $0x330C00, s6;
	s5 =	sadd.s32 $0x360C00, s6  }
0x24: {  	v0 =	vand.u32 $0x7, v2;
	v2 =	vor.u32 $0x8, v2;
	v1 =	vmul.u32 $0x8, v1;
	s6 =	sadd.s32 $0x330D00, s6;
	[dreg:$0x5] =	wrdreg s0;
	s0 =	simm.s32 $0xBD00  }
.LBB2_1:
0x25: {  	s1 =	rddreg [dreg:$0x3]  }
0x26: {  	[tilespmem:s2], [sflag:$0x2] =	stream.linear.gather [hbm4b:s1+s2], $0x80, $0x38;
	[tilespmem:$0x14100] =	vst v63  }
0x27: {  	_ =	swait.ge [sflag:s8], $0x80  }
0x28: {  	s1 =	rddreg [dreg:$0x4];
	[sflag:s8] =	ssyncset.done $0x0  }
0x29: {  	s28 =	rddreg [dreg:$0x6];
	[sflag:s8] =	ssyncadd.s32 $0xFFFFFF80  }
0x2a: {  	[tilespmem:s28], [sflag:$0x2] =	stream.linear.gather [hbm4b:s1+s2], $0x80, $0x38;
	[tilespmem:$0x14100] =	vst v63  }
0x2b: {  	_ =	swait.ge [sflag:s8], $0x80  }
0x2c: {  	[sflag:s8] =	ssyncset.done $0x0  }
0x2d: {  	s28 =	rddreg [dreg:$0x5];
	[sflag:s8] =	ssyncadd.s32 $0xFFFFFF80  }
0x2e: {  	[tilespmem:s9], [sflag:$0x2] =	stream.linear.gather [hbm4b:s28+s2], $0xC000, $0x38;
	[tilespmem:$0x14100] =	vst v63  }
0x2f: {  	_ =	swait.ge [sflag:s8], $0xC000  }
0x30: {  	[sflag:s8] =	ssyncset.done $0x0  }
0x31: {  	[sflag:s8] =	ssyncadd.s32 $0xFFFF4000  }
0x32: {  	v3 =	vld [tilespmem:$0x80];
	_ =	sdelay $0x4  }
0x33: {  	v4 =	vshll.u32 v3, $0x1  }
0x34: {  	v3 =	vand.u32 $0x7, v3;
	v4 =	vand.u32 $0xFFFFFFF0, v4  }
0x35: {  	v3 =	vor.u32 v3, v4  }
0x36: {  	v4 =	vperm.xlane v3, v0;
	_ =	sdelay $0x1  }
0x37: {  	v3 =	vperm.xlane v3, v2;
	v4 =	vadd.s32 v1, v4;
	_ =	sdelay $0x1  }
0x38: {  	v3 =	vadd.s32 v1, v3;
	_ =	sdelay $0x2  }
0x39: {  	[tilespmem:s10], [sflag:$0x1] =	stream.indirect_vreg.gather [hbm4b:s3+s2], $0x80, v4, vm0, $0xb8;
	[tilespmem:$0x14100] =	vst v63  }
0x3a: {  	_ = 	snop  }
0x3b: {  	[tilespmem:s11], [sflag:$0x1] =	stream.indirect_vreg.gather [hbm4b:s3+s2], $0x80, v3, vm0, $0xb8;
	[tilespmem:$0x14100] =	vst v63  }
0x3c: {  	v3 =	vld [tilespmem:$0x90];
	_ =	sdelay $0x4  }
0x3d: {  	v41 =	vshll.u32 v3, $0x1  }
0x3e: {  	v3 =	vand.u32 $0x7, v3;
	v4 =	vand.u32 $0xFFFFFFF0, v41  }
0x3f: {  	v3 =	vor.u32 v3, v4  }
0x40: {  	v4 =	vperm.xlane v3, v0;
	_ =	sdelay $0x1  }
0x41: {  	v3 =	vperm.xlane v3, v2;
	v4 =	vadd.s32 v1, v4;
	_ =	sdelay $0x1  }
0x42: {  	v3 =	vadd.s32 v1, v3;
	_ =	sdelay $0x2  }
0x43: {  	[tilespmem:s12], [sflag:$0x1] =	stream.indirect_vreg.gather [hbm4b:s3+s2], $0x80, v4, vm0, $0xb8;
	[tilespmem:$0x14100] =	vst v63  }
0x44: {  	_ = 	snop  }
0x45: {  	[tilespmem:s13], [sflag:$0x1] =	stream.indirect_vreg.gather [hbm4b:s3+s2], $0x80, v3, vm0, $0xb8;
	[tilespmem:$0x14100] =	vst v63  }
0x46: {  	v3 =	vld [tilespmem:$0xA0];
	_ =	sdelay $0x4  }
0x47: {  	v42 =	vshll.u32 v3, $0x1  }
0x48: {  	v3 =	vand.u32 $0x7, v3;
	v4 =	vand.u32 $0xFFFFFFF0, v42  }
0x49: {  	v3 =	vor.u32 v3, v4  }
0x4a: {  	v4 =	vperm.xlane v3, v0;
	_ =	sdelay $0x1  }
0x4b: {  	v3 =	vperm.xlane v3, v2;
	v4 =	vadd.s32 v1, v4;
	_ =	sdelay $0x1  }
0x4c: {  	v3 =	vadd.s32 v1, v3;
	_ =	sdelay $0x2  }
0x4d: {  	[tilespmem:s14], [sflag:$0x1] =	stream.indirect_vreg.gather [hbm4b:s3+s2], $0x80, v4, vm0, $0xb8;
	[tilespmem:$0x14100] =	vst v63  }
0x4e: {  	_ = 	snop  }
0x4f: {  	[tilespmem:s15], [sflag:$0x1] =	stream.indirect_vreg.gather [hbm4b:s3+s2], $0x80, v3, vm0, $0xb8;
	[tilespmem:$0x14100] =	vst v63  }
0x50: {  	v3 =	vld [tilespmem:$0xB0];
	_ =	sdelay $0x4  }
0x51: {  	v43 =	vshll.u32 v3, $0x1  }
0x52: {  	v3 =	vand.u32 $0x7, v3;
	v4 =	vand.u32 $0xFFFFFFF0, v43  }
0x53: {  	v3 =	vor.u32 v3, v4  }
0x54: {  	v4 =	vperm.xlane v3, v0;
	_ =	sdelay $0x1  }
0x55: {  	v3 =	vperm.xlane v3, v2;
	v4 =	vadd.s32 v1, v4;
	_ =	sdelay $0x1  }
0x56: {  	v3 =	vadd.s32 v1, v3;
	_ =	sdelay $0x2  }
0x57: {  	[tilespmem:s16], [sflag:$0x1] =	stream.indirect_vreg.gather [hbm4b:s3+s2], $0x80, v4, vm0, $0xb8;
	[tilespmem:$0x14100] =	vst v63  }
0x58: {  	_ = 	snop  }
0x59: {  	[tilespmem:s17], [sflag:$0x1] =	stream.indirect_vreg.gather [hbm4b:s3+s2], $0x80, v3, vm0, $0xb8;
	[tilespmem:$0x14100] =	vst v63  }
0x5a: {  	v3 =	vld [tilespmem:$0xC0];
	_ =	sdelay $0x4  }
0x5b: {  	v44 =	vshll.u32 v3, $0x1  }
0x5c: {  	v3 =	vand.u32 $0x7, v3;
	v4 =	vand.u32 $0xFFFFFFF0, v44  }
0x5d: {  	v3 =	vor.u32 v3, v4  }
0x5e: {  	v4 =	vperm.xlane v3, v0;
	_ =	sdelay $0x1  }
0x5f: {  	v3 =	vperm.xlane v3, v2;
	v4 =	vadd.s32 v1, v4;
	_ =	sdelay $0x1  }
0x60: {  	v3 =	vadd.s32 v1, v3;
	_ =	sdelay $0x2  }
0x61: {  	[tilespmem:s18], [sflag:$0x1] =	stream.indirect_vreg.gather [hbm4b:s3+s2], $0x80, v4, vm0, $0xb8;
	[tilespmem:$0x14100] =	vst v63  }
0x62: {  	_ = 	snop  }
0x63: {  	[tilespmem:s19], [sflag:$0x1] =	stream.indirect_vreg.gather [hbm4b:s3+s2], $0x80, v3, vm0, $0xb8;
	[tilespmem:$0x14100] =	vst v63  }
0x64: {  	v3 =	vld [tilespmem:$0xD0];
	_ =	sdelay $0x4  }
0x65: {  	v45 =	vshll.u32 v3, $0x1  }
0x66: {  	v3 =	vand.u32 $0x7, v3;
	v4 =	vand.u32 $0xFFFFFFF0, v45  }
0x67: {  	v3 =	vor.u32 v3, v4  }
0x68: {  	v4 =	vperm.xlane v3, v0;
	_ =	sdelay $0x1  }
0x69: {  	v3 =	vperm.xlane v3, v2;
	v4 =	vadd.s32 v1, v4;
	_ =	sdelay $0x1  }
0x6a: {  	v3 =	vadd.s32 v1, v3;
	_ =	sdelay $0x2  }
0x6b: {  	[tilespmem:s20], [sflag:$0x1] =	stream.indirect_vreg.gather [hbm4b:s3+s2], $0x80, v4, vm0, $0xb8;
	[tilespmem:$0x14100] =	vst v63  }
0x6c: {  	_ = 	snop  }
0x6d: {  	[tilespmem:s21], [sflag:$0x1] =	stream.indirect_vreg.gather [hbm4b:s3+s2], $0x80, v3, vm0, $0xb8;
	[tilespmem:$0x14100] =	vst v63  }
0x6e: {  	v3 =	vld [tilespmem:$0xE0];
	_ =	sdelay $0x4  }
0x6f: {  	v46 =	vshll.u32 v3, $0x1  }
0x70: {  	v3 =	vand.u32 $0x7, v3;
	v4 =	vand.u32 $0xFFFFFFF0, v46  }
0x71: {  	v3 =	vor.u32 v3, v4  }
0x72: {  	v4 =	vperm.xlane v3, v0;
	_ =	sdelay $0x1  }
0x73: {  	v3 =	vperm.xlane v3, v2;
	v4 =	vadd.s32 v1, v4;
	_ =	sdelay $0x1  }
0x74: {  	v3 =	vadd.s32 v1, v3;
	_ =	sdelay $0x2  }
0x75: {  	[tilespmem:s22], [sflag:$0x1] =	stream.indirect_vreg.gather [hbm4b:s3+s2], $0x80, v4, vm0, $0xb8;
	[tilespmem:$0x14100] =	vst v63  }
0x76: {  	_ = 	snop  }
0x77: {  	[tilespmem:s23], [sflag:$0x1] =	stream.indirect_vreg.gather [hbm4b:s3+s2], $0x80, v3, vm0, $0xb8;
	[tilespmem:$0x14100] =	vst v63  }
0x78: {  	v3 =	vld [tilespmem:$0xF0];
	_ =	sdelay $0x4  }
0x79: {  	v47 =	vshll.u32 v3, $0x1  }
0x7a: {  	v3 =	vand.u32 $0x7, v3;
	v4 =	vand.u32 $0xFFFFFFF0, v47  }
0x7b: {  	v3 =	vor.u32 v3, v4  }
0x7c: {  	v4 =	vperm.xlane v3, v0;
	_ =	sdelay $0x1  }
0x7d: {  	v3 =	vperm.xlane v3, v2;
	v4 =	vadd.s32 v1, v4;
	_ =	sdelay $0x1  }
0x7e: {  	v3 =	vadd.s32 v1, v3;
	_ =	sdelay $0x2  }
0x7f: {  	[tilespmem:s24], [sflag:$0x1] =	stream.indirect_vreg.gather [hbm4b:s3+s2], $0x80, v4, vm0, $0xb8;
	[tilespmem:$0x14100] =	vst v63  }
0x80: {  	_ = 	snop  }
0x81: {  	[tilespmem:s25], [sflag:$0x1] =	stream.indirect_vreg.gather [hbm4b:s3+s2], $0x80, v3, vm0, $0xb8;
	[tilespmem:$0x14100] =	vst v63  }
0x82: {  	_ =	swait.ge [sflag:s26], $0x8000  }
0x83: {  	[sflag:s26] =	ssyncset.done $0x0  }
0x84: {  	[sflag:s26] =	ssyncadd.s32 $0xFFFF8000  }
0x85: {  	v3 =	vld [tilespmem:$0x0];
	_ =	sdelay $0x4  }
0x86: {  	v48 =	vshrl.u32 v3, $0x3  }
0x87: {  	v4 =	vmul.u32 $0x18, v48  }
0x88: {  	v3 =	vand.u32 $0x7, v3  }
0x89: {  	v3 =	vor.u32 v3, v4  }
0x8a: {  	v4 =	vperm.xlane v3, v0;
	_ =	sdelay $0x1  }
0x8b: {  	v4 =	vadd.s32 v1, v4;
	_ =	sdelay $0x1  }
0x8c: {  	v3 =	vperm.xlane v3, v2;
	_ =	sdelay $0x1  }
0x8d: {  	v3 =	vadd.s32 v1, v3  }
0x8e: {  	[hbm4b:s4+s2] =	stream.indirect_vreg.scatter [tilespmem:s9], [sflag:$0x1], $0x80, v4, vm0, $0xb8;
	[tilespmem:$0x14100] =	vst v63  }
0x8f: {  	s1 =	rddreg [dreg:$0x7]  }
0x90: {  	[hbm4b:s6+s2] =	stream.indirect_vreg.scatter [tilespmem:s1], [sflag:$0x1], $0x80, v4, vm1, $0xb8;
	[tilespmem:$0x14100] =	vst v63  }
0x91: {  	s28 =	rddreg [dreg:$0x8]  }
0x92: {  	[hbm4b:s4+s2] =	stream.indirect_vreg.scatter [tilespmem:s28], [sflag:$0x1], $0x80, v3, vm0, $0xb8;
	[tilespmem:$0x14100] =	vst v63  }
0x93: {  	s1 =	rddreg [dreg:$0x9]  }
0x94: {  	[hbm4b:s6+s2] =	stream.indirect_vreg.scatter [tilespmem:s1], [sflag:$0x1], $0x80, v3, vm1, $0xb8;
	[tilespmem:$0x14100] =	vst v63  }
0x95: {  	v3 =	vld [tilespmem:$0x10];
	_ =	sdelay $0x4  }
0x96: {  	v49 =	vshrl.u32 v3, $0x3  }
0x97: {  	v4 =	vmul.u32 $0x18, v49  }
0x98: {  	v3 =	vand.u32 $0x7, v3  }
0x99: {  	v3 =	vor.u32 v3, v4  }
0x9a: {  	v4 =	vperm.xlane v3, v0;
	_ =	sdelay $0x1  }
0x9b: {  	v4 =	vadd.s32 v1, v4;
	_ =	sdelay $0x1  }
0x9c: {  	v3 =	vperm.xlane v3, v2;
	_ =	sdelay $0x1  }
0x9d: {  	s1 =	rddreg [dreg:$0xa];
	v3 =	vadd.s32 v1, v3  }
0x9e: {  	[hbm4b:s4+s2] =	stream.indirect_vreg.scatter [tilespmem:s1], [sflag:$0x1], $0x80, v4, vm0, $0xb8;
	[tilespmem:$0x14100] =	vst v63  }
0x9f: {  	s28 =	rddreg [dreg:$0xb]  }
0xa0: {  	[hbm4b:s6+s2] =	stream.indirect_vreg.scatter [tilespmem:s28], [sflag:$0x1], $0x80, v4, vm1, $0xb8;
	[tilespmem:$0x14100] =	vst v63  }
0xa1: {  	s1 =	rddreg [dreg:$0xc]  }
0xa2: {  	[hbm4b:s4+s2] =	stream.indirect_vreg.scatter [tilespmem:s1], [sflag:$0x1], $0x80, v3, vm0, $0xb8;
	[tilespmem:$0x14100] =	vst v63  }
0xa3: {  	s28 =	rddreg [dreg:$0xd]  }
0xa4: {  	[hbm4b:s6+s2] =	stream.indirect_vreg.scatter [tilespmem:s28], [sflag:$0x1], $0x80, v3, vm1, $0xb8;
	[tilespmem:$0x14100] =	vst v63  }
0xa5: {  	v3 =	vld [tilespmem:$0x20];
	_ =	sdelay $0x4  }
0xa6: {  	v50 =	vshrl.u32 v3, $0x3  }
0xa7: {  	v4 =	vmul.u32 $0x18, v50  }
0xa8: {  	v3 =	vand.u32 $0x7, v3  }
0xa9: {  	v3 =	vor.u32 v3, v4  }
0xaa: {  	v4 =	vperm.xlane v3, v0;
	_ =	sdelay $0x1  }
0xab: {  	v4 =	vadd.s32 v1, v4;
	_ =	sdelay $0x1  }
0xac: {  	v3 =	vperm.xlane v3, v2;
	_ =	sdelay $0x1  }
0xad: {  	s1 =	rddreg [dreg:$0xe];
	v3 =	vadd.s32 v1, v3  }
0xae: {  	[hbm4b:s4+s2] =	stream.indirect_vreg.scatter [tilespmem:s1], [sflag:$0x1], $0x80, v4, vm0, $0xb8;
	[tilespmem:$0x14100] =	vst v63  }
0xaf: {  	s28 =	rddreg [dreg:$0xf]  }
0xb0: {  	[hbm4b:s6+s2] =	stream.indirect_vreg.scatter [tilespmem:s28], [sflag:$0x1], $0x80, v4, vm1, $0xb8;
	[tilespmem:$0x14100] =	vst v63  }
0xb1: {  	s1 =	rddreg [dreg:$0x10]  }
0xb2: {  	[hbm4b:s4+s2] =	stream.indirect_vreg.scatter [tilespmem:s1], [sflag:$0x1], $0x80, v3, vm0, $0xb8;
	[tilespmem:$0x14100] =	vst v63  }
0xb3: {  	s28 =	rddreg [dreg:$0x11]  }
0xb4: {  	[hbm4b:s6+s2] =	stream.indirect_vreg.scatter [tilespmem:s28], [sflag:$0x1], $0x80, v3, vm1, $0xb8;
	[tilespmem:$0x14100] =	vst v63  }
0xb5: {  	v3 =	vld [tilespmem:$0x30];
	_ =	sdelay $0x4  }
0xb6: {  	v51 =	vshrl.u32 v3, $0x3  }
0xb7: {  	v4 =	vmul.u32 $0x18, v51  }
0xb8: {  	v3 =	vand.u32 $0x7, v3  }
0xb9: {  	v3 =	vor.u32 v3, v4  }
0xba: {  	v4 =	vperm.xlane v3, v0;
	_ =	sdelay $0x1  }
0xbb: {  	v4 =	vadd.s32 v1, v4;
	_ =	sdelay $0x1  }
0xbc: {  	v3 =	vperm.xlane v3, v2;
	_ =	sdelay $0x1  }
0xbd: {  	s1 =	rddreg [dreg:$0x12];
	v3 =	vadd.s32 v1, v3  }
0xbe: {  	[hbm4b:s4+s2] =	stream.indirect_vreg.scatter [tilespmem:s1], [sflag:$0x1], $0x80, v4, vm0, $0xb8;
	[tilespmem:$0x14100] =	vst v63  }
0xbf: {  	s28 =	rddreg [dreg:$0x13]  }
0xc0: {  	[hbm4b:s6+s2] =	stream.indirect_vreg.scatter [tilespmem:s28], [sflag:$0x1], $0x80, v4, vm1, $0xb8;
	[tilespmem:$0x14100] =	vst v63  }
0xc1: {  	s1 =	rddreg [dreg:$0x14]  }
0xc2: {  	[hbm4b:s4+s2] =	stream.indirect_vreg.scatter [tilespmem:s1], [sflag:$0x1], $0x80, v3, vm0, $0xb8;
	[tilespmem:$0x14100] =	vst v63  }
0xc3: {  	s28 =	rddreg [dreg:$0x15]  }
0xc4: {  	[hbm4b:s6+s2] =	stream.indirect_vreg.scatter [tilespmem:s28], [sflag:$0x1], $0x80, v3, vm1, $0xb8;
	[tilespmem:$0x14100] =	vst v63  }
0xc5: {  	v3 =	vld [tilespmem:$0x40];
	_ =	sdelay $0x4  }
0xc6: {  	v52 =	vshrl.u32 v3, $0x3  }
0xc7: {  	v4 =	vmul.u32 $0x18, v52  }
0xc8: {  	v3 =	vand.u32 $0x7, v3  }
0xc9: {  	v3 =	vor.u32 v3, v4  }
0xca: {  	v4 =	vperm.xlane v3, v0;
	_ =	sdelay $0x1  }
0xcb: {  	v4 =	vadd.s32 v1, v4;
	_ =	sdelay $0x1  }
0xcc: {  	v3 =	vperm.xlane v3, v2;
	_ =	sdelay $0x1  }
0xcd: {  	s1 =	rddreg [dreg:$0x16];
	v3 =	vadd.s32 v1, v3  }
0xce: {  	[hbm4b:s4+s2] =	stream.indirect_vreg.scatter [tilespmem:s1], [sflag:$0x1], $0x80, v4, vm0, $0xb8;
	[tilespmem:$0x14100] =	vst v63  }
0xcf: {  	s28 =	rddreg [dreg:$0x17]  }
0xd0: {  	[hbm4b:s6+s2] =	stream.indirect_vreg.scatter [tilespmem:s28], [sflag:$0x1], $0x80, v4, vm1, $0xb8;
	[tilespmem:$0x14100] =	vst v63  }
0xd1: {  	s1 =	rddreg [dreg:$0x18]  }
0xd2: {  	[hbm4b:s4+s2] =	stream.indirect_vreg.scatter [tilespmem:s1], [sflag:$0x1], $0x80, v3, vm0, $0xb8;
	[tilespmem:$0x14100] =	vst v63  }
0xd3: {  	s28 =	rddreg [dreg:$0x19]  }
0xd4: {  	[hbm4b:s6+s2] =	stream.indirect_vreg.scatter [tilespmem:s28], [sflag:$0x1], $0x80, v3, vm1, $0xb8;
	[tilespmem:$0x14100] =	vst v63  }
0xd5: {  	v3 =	vld [tilespmem:$0x50];
	_ =	sdelay $0x4  }
0xd6: {  	v53 =	vshrl.u32 v3, $0x3  }
0xd7: {  	v4 =	vmul.u32 $0x18, v53  }
0xd8: {  	v3 =	vand.u32 $0x7, v3  }
0xd9: {  	v3 =	vor.u32 v3, v4  }
0xda: {  	v4 =	vperm.xlane v3, v0;
	_ =	sdelay $0x1  }
0xdb: {  	v4 =	vadd.s32 v1, v4;
	_ =	sdelay $0x1  }
0xdc: {  	v3 =	vperm.xlane v3, v2;
	_ =	sdelay $0x1  }
0xdd: {  	s1 =	rddreg [dreg:$0x1a];
	v3 =	vadd.s32 v1, v3  }
0xde: {  	[hbm4b:s4+s2] =	stream.indirect_vreg.scatter [tilespmem:s1], [sflag:$0x1], $0x80, v4, vm0, $0xb8;
	[tilespmem:$0x14100] =	vst v63  }
0xdf: {  	s28 =	rddreg [dreg:$0x1b]  }
0xe0: {  	[hbm4b:s6+s2] =	stream.indirect_vreg.scatter [tilespmem:s28], [sflag:$0x1], $0x80, v4, vm1, $0xb8;
	[tilespmem:$0x14100] =	vst v63  }
0xe1: {  	s1 =	rddreg [dreg:$0x1c]  }
0xe2: {  	[hbm4b:s4+s2] =	stream.indirect_vreg.scatter [tilespmem:s1], [sflag:$0x1], $0x80, v3, vm0, $0xb8;
	[tilespmem:$0x14100] =	vst v63  }
0xe3: {  	s28 =	rddreg [dreg:$0x1d]  }
0xe4: {  	[hbm4b:s6+s2] =	stream.indirect_vreg.scatter [tilespmem:s28], [sflag:$0x1], $0x80, v3, vm1, $0xb8;
	[tilespmem:$0x14100] =	vst v63  }
0xe5: {  	v3 =	vld [tilespmem:$0x60];
	_ =	sdelay $0x4  }
0xe6: {  	v54 =	vshrl.u32 v3, $0x3  }
0xe7: {  	v4 =	vmul.u32 $0x18, v54  }
0xe8: {  	v3 =	vand.u32 $0x7, v3  }
0xe9: {  	v3 =	vor.u32 v3, v4  }
0xea: {  	v4 =	vperm.xlane v3, v0;
	_ =	sdelay $0x1  }
0xeb: {  	v4 =	vadd.s32 v1, v4;
	_ =	sdelay $0x1  }
0xec: {  	v3 =	vperm.xlane v3, v2  }
0xed: {  	s1 =	rddreg [dreg:$0x1e]  }
0xee: {  	s28 =	rddreg [dreg:$0x1f];
	v3 =	vadd.s32 v1, v3  }
0xef: {  	[hbm4b:s4+s2] =	stream.indirect_vreg.scatter [tilespmem:s1], [sflag:$0x1], $0x80, v4, vm0, $0xb8;
	[tilespmem:$0x14100] =	vst v63  }
0xf0: {  	s1 =	sld [smem:$0x7FD]  }
0xf1: {  	[hbm4b:s6+s2] =	stream.indirect_vreg.scatter [tilespmem:s28], [sflag:$0x1], $0x80, v4, vm1, $0xb8;
	[tilespmem:$0x14100] =	vst v63  }
0xf2: {  	_ = 	snop  }
0xf3: {  	[hbm4b:s4+s2] =	stream.indirect_vreg.scatter [tilespmem:s1], [sflag:$0x1], $0x80, v3, vm0, $0xb8;
	[tilespmem:$0x14100] =	vst v63  }
0xf4: {  	s28 =	simm.s32 $0xA500  }
0xf5: {  	[hbm4b:s6+s2] =	stream.indirect_vreg.scatter [tilespmem:s28], [sflag:$0x1], $0x80, v3, vm1, $0xb8;
	[tilespmem:$0x14100] =	vst v63  }
0xf6: {  	v3 =	vld [tilespmem:$0x70];
	_ =	sdelay $0x4  }
0xf7: {  	v55 =	vshrl.u32 v3, $0x3  }
0xf8: {  	v4 =	vmul.u32 $0x18, v55  }
0xf9: {  	v3 =	vand.u32 $0x7, v3  }
0xfa: {  	v3 =	vor.u32 v3, v4  }
0xfb: {  	v4 =	vperm.xlane v3, v0;
	_ =	sdelay $0x1  }
0xfc: {  	v4 =	vadd.s32 v1, v4;
	_ =	sdelay $0x1  }
0xfd: {  	v3 =	vperm.xlane v3, v2;
	_ =	sdelay $0x1  }
0xfe: {  	v3 =	vadd.s32 v1, v3  }
0xff: {  	[hbm4b:s4+s2] =	stream.indirect_vreg.scatter [tilespmem:s29], [sflag:$0x1], $0x80, v4, vm0, $0xb8;
	[tilespmem:$0x14100] =	vst v63  }
0x100: {  	_ = 	snop  }
0x101: {  	[hbm4b:s6+s2] =	stream.indirect_vreg.scatter [tilespmem:s30], [sflag:$0x1], $0x80, v4, vm1, $0xb8;
	[tilespmem:$0x14100] =	vst v63  }
0x102: {  	_ = 	snop  }
0x103: {  	[hbm4b:s4+s2] =	stream.indirect_vreg.scatter [tilespmem:s31], [sflag:$0x1], $0x80, v3, vm0, $0xb8;
	[tilespmem:$0x14100] =	vst v63  }
0x104: {  	_ = 	snop  }
0x105: {  	[hbm4b:s6+s2] =	stream.indirect_vreg.scatter [tilespmem:s0], [sflag:$0x1], $0x80, v3, vm1, $0xb8;
	[tilespmem:$0x14100] =	vst v63  }
0x106: {  	v3 =	vld [tilespmem:$0x0];
	_ =	sdelay $0x4  }
0x107: {  	v56 =	vshll.u32 v3, $0x1  }
0x108: {  	v3 =	vand.u32 $0x7, v3;
	v4 =	vand.u32 $0xFFFFFFF0, v56  }
0x109: {  	v3 =	vor.u32 v3, v4  }
0x10a: {  	v4 =	vperm.xlane v3, v0;
	_ =	sdelay $0x1  }
0x10b: {  	v3 =	vperm.xlane v3, v2;
	v4 =	vadd.s32 v1, v4;
	_ =	sdelay $0x1  }
0x10c: {  	v3 =	vadd.s32 v1, v3;
	_ =	sdelay $0x2  }
0x10d: {  	[hbm4b:s5+s2] =	stream.indirect_vreg.scatter [tilespmem:s10], [sflag:$0x1], $0x80, v4, vm0, $0xb8;
	[tilespmem:$0x14100] =	vst v63  }
0x10e: {  	_ = 	snop  }
0x10f: {  	[hbm4b:s5+s2] =	stream.indirect_vreg.scatter [tilespmem:s11], [sflag:$0x1], $0x80, v3, vm0, $0xb8;
	[tilespmem:$0x14100] =	vst v63  }
0x110: {  	v3 =	vld [tilespmem:$0x10];
	_ =	sdelay $0x4  }
0x111: {  	v57 =	vshll.u32 v3, $0x1  }
0x112: {  	v3 =	vand.u32 $0x7, v3;
	v4 =	vand.u32 $0xFFFFFFF0, v57  }
0x113: {  	v3 =	vor.u32 v3, v4  }
0x114: {  	v4 =	vperm.xlane v3, v0;
	_ =	sdelay $0x1  }
0x115: {  	v3 =	vperm.xlane v3, v2;
	v4 =	vadd.s32 v1, v4;
	_ =	sdelay $0x1  }
0x116: {  	v3 =	vadd.s32 v1, v3;
	_ =	sdelay $0x2  }
0x117: {  	[hbm4b:s5+s2] =	stream.indirect_vreg.scatter [tilespmem:s12], [sflag:$0x1], $0x80, v4, vm0, $0xb8;
	[tilespmem:$0x14100] =	vst v63  }
0x118: {  	_ = 	snop  }
0x119: {  	[hbm4b:s5+s2] =	stream.indirect_vreg.scatter [tilespmem:s13], [sflag:$0x1], $0x80, v3, vm0, $0xb8;
	[tilespmem:$0x14100] =	vst v63  }
0x11a: {  	v3 =	vld [tilespmem:$0x20];
	_ =	sdelay $0x4  }
0x11b: {  	v58 =	vshll.u32 v3, $0x1  }
0x11c: {  	v3 =	vand.u32 $0x7, v3;
	v4 =	vand.u32 $0xFFFFFFF0, v58  }
0x11d: {  	v3 =	vor.u32 v3, v4  }
0x11e: {  	v4 =	vperm.xlane v3, v0;
	_ =	sdelay $0x1  }
0x11f: {  	v3 =	vperm.xlane v3, v2;
	v4 =	vadd.s32 v1, v4;
	_ =	sdelay $0x1  }
0x120: {  	v3 =	vadd.s32 v1, v3;
	_ =	sdelay $0x2  }
0x121: {  	[hbm4b:s5+s2] =	stream.indirect_vreg.scatter [tilespmem:s14], [sflag:$0x1], $0x80, v4, vm0, $0xb8;
	[tilespmem:$0x14100] =	vst v63  }
0x122: {  	_ = 	snop  }
0x123: {  	[hbm4b:s5+s2] =	stream.indirect_vreg.scatter [tilespmem:s15], [sflag:$0x1], $0x80, v3, vm0, $0xb8;
	[tilespmem:$0x14100] =	vst v63  }
0x124: {  	v3 =	vld [tilespmem:$0x30];
	_ =	sdelay $0x4  }
0x125: {  	v59 =	vshll.u32 v3, $0x1  }
0x126: {  	v3 =	vand.u32 $0x7, v3;
	v4 =	vand.u32 $0xFFFFFFF0, v59  }
0x127: {  	v3 =	vor.u32 v3, v4  }
0x128: {  	v4 =	vperm.xlane v3, v0;
	_ =	sdelay $0x1  }
0x129: {  	v3 =	vperm.xlane v3, v2;
	v4 =	vadd.s32 v1, v4;
	_ =	sdelay $0x1  }
0x12a: {  	v3 =	vadd.s32 v1, v3;
	_ =	sdelay $0x2  }
0x12b: {  	[hbm4b:s5+s2] =	stream.indirect_vreg.scatter [tilespmem:s16], [sflag:$0x1], $0x80, v4, vm0, $0xb8;
	[tilespmem:$0x14100] =	vst v63  }
0x12c: {  	_ = 	snop  }
0x12d: {  	[hbm4b:s5+s2] =	stream.indirect_vreg.scatter [tilespmem:s17], [sflag:$0x1], $0x80, v3, vm0, $0xb8;
	[tilespmem:$0x14100] =	vst v63  }
0x12e: {  	v3 =	vld [tilespmem:$0x40];
	_ =	sdelay $0x4  }
0x12f: {  	v60 =	vshll.u32 v3, $0x1  }
0x130: {  	v3 =	vand.u32 $0x7, v3;
	v4 =	vand.u32 $0xFFFFFFF0, v60  }
0x131: {  	v3 =	vor.u32 v3, v4  }
0x132: {  	v4 =	vperm.xlane v3, v0;
	_ =	sdelay $0x1  }
0x133: {  	v3 =	vperm.xlane v3, v2;
	v4 =	vadd.s32 v1, v4;
	_ =	sdelay $0x1  }
0x134: {  	v3 =	vadd.s32 v1, v3;
	_ =	sdelay $0x2  }
0x135: {  	[hbm4b:s5+s2] =	stream.indirect_vreg.scatter [tilespmem:s18], [sflag:$0x1], $0x80, v4, vm0, $0xb8;
	[tilespmem:$0x14100] =	vst v63  }
0x136: {  	_ = 	snop  }
0x137: {  	[hbm4b:s5+s2] =	stream.indirect_vreg.scatter [tilespmem:s19], [sflag:$0x1], $0x80, v3, vm0, $0xb8;
	[tilespmem:$0x14100] =	vst v63  }
0x138: {  	v3 =	vld [tilespmem:$0x50];
	_ =	sdelay $0x4  }
0x139: {  	v61 =	vshll.u32 v3, $0x1  }
0x13a: {  	v3 =	vand.u32 $0x7, v3;
	v4 =	vand.u32 $0xFFFFFFF0, v61  }
0x13b: {  	v3 =	vor.u32 v3, v4  }
0x13c: {  	v4 =	vperm.xlane v3, v0;
	_ =	sdelay $0x1  }
0x13d: {  	v3 =	vperm.xlane v3, v2;
	v4 =	vadd.s32 v1, v4;
	_ =	sdelay $0x1  }
0x13e: {  	v3 =	vadd.s32 v1, v3;
	_ =	sdelay $0x2  }
0x13f: {  	[hbm4b:s5+s2] =	stream.indirect_vreg.scatter [tilespmem:s20], [sflag:$0x1], $0x80, v4, vm0, $0xb8;
	[tilespmem:$0x14100] =	vst v63  }
0x140: {  	_ = 	snop  }
0x141: {  	[hbm4b:s5+s2] =	stream.indirect_vreg.scatter [tilespmem:s21], [sflag:$0x1], $0x80, v3, vm0, $0xb8;
	[tilespmem:$0x14100] =	vst v63  }
0x142: {  	v3 =	vld [tilespmem:$0x60];
	_ =	sdelay $0x4  }
0x143: {  	v62 =	vshll.u32 v3, $0x1  }
0x144: {  	v3 =	vand.u32 $0x7, v3;
	v4 =	vand.u32 $0xFFFFFFF0, v62  }
0x145: {  	v3 =	vor.u32 v3, v4  }
0x146: {  	v4 =	vperm.xlane v3, v0;
	_ =	sdelay $0x1  }
0x147: {  	v3 =	vperm.xlane v3, v2;
	v4 =	vadd.s32 v1, v4;
	_ =	sdelay $0x1  }
0x148: {  	v3 =	vadd.s32 v1, v3;
	_ =	sdelay $0x2  }
0x149: {  	[hbm4b:s5+s2] =	stream.indirect_vreg.scatter [tilespmem:s22], [sflag:$0x1], $0x80, v4, vm0, $0xb8;
	[tilespmem:$0x14100] =	vst v63  }
0x14a: {  	_ = 	snop  }
0x14b: {  	[hbm4b:s5+s2] =	stream.indirect_vreg.scatter [tilespmem:s23], [sflag:$0x1], $0x80, v3, vm0, $0xb8;
	[tilespmem:$0x14100] =	vst v63  }
0x14c: {  	v3 =	vld [tilespmem:$0x70];
	_ =	sdelay $0x4  }
0x14d: {  	v63 =	vshll.u32 v3, $0x1  }
0x14e: {  	v3 =	vand.u32 $0x7, v3;
	v4 =	vand.u32 $0xFFFFFFF0, v63  }
0x14f: {  	v3 =	vor.u32 v3, v4  }
0x150: {  	v4 =	vperm.xlane v3, v0;
	_ =	sdelay $0x1  }
0x151: {  	v3 =	vperm.xlane v3, v2;
	v4 =	vadd.s32 v1, v4;
	_ =	sdelay $0x1  }
0x152: {  	v3 =	vadd.s32 v1, v3;
	_ =	sdelay $0x2  }
0x153: {  	[hbm4b:s5+s2] =	stream.indirect_vreg.scatter [tilespmem:s24], [sflag:$0x1], $0x80, v4, vm0, $0xb8;
	[tilespmem:$0x14100] =	vst v63  }
0x154: {  	_ = 	snop  }
0x155: {  	[hbm4b:s5+s2] =	stream.indirect_vreg.scatter [tilespmem:s25], [sflag:$0x1], $0x80, v3, vm0, $0xb8;
	[tilespmem:$0x14100] =	vst v63  }
0x156: {  	p0 =	sne.s32 s7, $0x1;
	_ =	swait.ge [sflag:s26], $0xC000  }
.Ltmp0:
0x157: {  	[sflag:s26] =	ssyncset.done $0x0;
	(pc) =	sbr.rel @p0 .LBB2_1-.Ltmp0, $4  }
0x158: {  	[sflag:s26] =	ssyncadd.s32 $0xFFFF4000  }
0x159: {  	_ =	swait.ge [sflag:s26], $0x8000  }
0x15a: {  	[sflag:s26] =	ssyncset.done $0x0  }
0x15b: {  	s7 =	sadd.s32 $0xFFFFFFFF, s7;
	[sflag:s26] =	ssyncadd.s32 $0xFFFF8000  }
0x15c: {  	_ =	sfence.sel $0x180000  }
0x15d: {  	[bflag:$0x0] =	sbarrier.arrive $0xFFFF  }
0x15e: {  	_ =	strace $0x9000004A  }
0x15f: {  	s0 =	stileid.u32;
	[bflag:$0x2] =	sbarrier.arrive $0xFFFF  }
0x160: {  	p0 =	sne.s32 s0, $0x0;
	s0 =	rddreg [dreg:$0x2]  }
0x161: {  	s0 =	sadd.s32 @!p0 $0x100000, s0  }
0x162: {  	[sflag:s0] =	ssyncadd.tile.s32 @!p0 $0x1;
	_ =	shalt  }
.Lfunc_end2:
_tile_overlayer_lowered:
.L_overlay_start_2:
0x163: {  	(tag) =	ssettag $0x2  }
0x164: {  	s0 =	rddreg [dreg:$0x0];
	s2 =	stileid.u32  }
0x165: {  	s1 =	rddreg [dreg:$0x1];
	p0 =	sne.s32 s2, $0x0  }
0x166: {  	s3 =	rddreg [dreg:$0x2];
	[bflag:$0x3] =	sbarrier.arrive $0xFFFF;
	s2 =	simm.s32 @!p0 $0x1C02  }
0x167: {  	[timem:s3], [sflag:s2] =	dma.local @!p0 [hbm:s0], s1  }
0x168: {  	s0 =	simm.s32 @!p0 $0x2  }
0x169: {  	_ =	swait.ge @!p0 [sflag:s0], s1  }
0x16a: {  	s1 =	ssub.s32 @!p0 $0x0, s1;
	[sflag:s0] =	ssyncset.done @!p0 $0x0  }
0x16b: {  	[sflag:s0] =	ssyncadd.s32 @!p0 s1  }
0x16c: {  	[bflag:$0x3] =	sbarrier.arrive $0xFFFF  }
0x16d: {  	_ =	shalt  }

// kernel: kernel.9.cloned.1.call-start
scs
__scs_entry_jumppad:
0x0: {  	(pc) =	sbr.rel $0x88, $3  }
0x1: {  	(tag) =	ssettag $0x0;
	lr =	simm.s32 $0x1  }
0x2: {  	[smem:$0x3F99] =	sst lr;
	_ =	strace $0xD0000000  }
0x3: {  	_ = 	snop  }
0x4: {  	_ = 	snop  }
0x5: {  	_ = 	snop  }
0x6: {  	_ = 	snop  }
0x7: {  	_ = 	snop  }
__scs_overlays_trampoline_lowered:
0x8: {  	[smem:$0x3FA8] =	sst s0  }
0x9: {  	[smem:$0x3FA9] =	sst s1  }
0xa: {  	[smem:$0x3FAA] =	sst s2  }
0xb: {  	[smem:$0x3FAB] =	sst s3  }
0xc: {  	[smem:$0x3FAC] =	sst s4  }
0xd: {  	[smem:$0x3FAD] =	sst s5  }
0xe: {  	[smem:$0x3FAE] =	sst s6  }
0xf: {  	[smem:$0x3FAF] =	sst s7  }
0x10: {  	[smem:$0x3FB0] =	sst s8  }
0x11: {  	[smem:$0x3FB1] =	sst s9;
	s0 =	simm.s32 @!p0 $0x0  }
0x12: {  	s1 =	sld [smem:$0x3F97];
	s0 =	simm.s32 @p0 $0x1  }
0x13: {  	[smem:$0x3FB2] =	sst s0;
	s0 =	simm.s32 @!p1 $0x0  }
0x14: {  	s2 =	sld [smem:$0x3F96];
	s0 =	simm.s32 @p1 $0x1  }
0x15: {  	[smem:$0x3FB3] =	sst s0;
	s0 =	simm.s32 @!p2 $0x0  }
0x16: {  	s3 =	sld [smem:$0x3FDB];
	s0 =	simm.s32 @p2 $0x1  }
0x17: {  	s4 =	simm.s32 $0x1BF5;
	[smem:$0x3FB5] =	sst s0  }
0x18: {  	s0 =	sld [smem:$0x3F98];
	_ =	swait.ge [sflag:s4], $0x0  }
0x19: {  	s7 =	sld [smem:$0x3F99]  }
0x1a: {  	s8 =	sadd.s32 $0xFFFFE003, lr  }
0x1b: {  	s9 =	sadd.s32 $0xFFFFFEF7, lr;
	s5 =	simm.s32 $0xFFFFFFFF;
	p2 =	slt.u32 s8, $0xFFFFF086  }
0x1c: {  	p1 =	slt.u32 s9, $0xF7A;
	s5 =	simm.s32 @!p2 $0x0  }
0x1d: {  	s5 =	simm.s32 @p1 $0x1;
	p0 =	seq.s32 s7, s2  }
0x1e: {  	s7 =	smul.u32 @!p0 $0xF7A, s2;
	p2 =	seq.s32 @!p0 s5, $0x0  }
0x1f: {  	s9 =	smul.u32 $0xF7A, s1;
	s8 =	simm.s32 @!p0 $0x1BF5;
	p2 =	por !p2, p0  }
0x20: {  	[sflag:s8] =	ssyncset.s32 @!p0 $0xFFFFF086;
	s6 =	sadd.s32 @!p0 s3, s7;
	s7 =	simm.s32 @!p0 $0x108  }
0x21: {  	s3 =	sadd.s32 s3, s9;
	s6 =	sadd.s32 @!p0 $0x88, s6;
	s7 =	simm.s32 @p2 $0x1082  }
0x22: {  	[simem:s7], [sflag:s8] =	dma.local @!p0 [hbm:s6], $0xF7A  }
0x23: {  	s9 =	sor.u32 $0xD0000000, s2;
	s6 =	simm.s32 $0x108;
	_ =	swait.ge @!p0 [sflag:s8], $0x0  }
0x24: {  	s3 =	sadd.s32 $0x88, s3;
	s6 =	simm.s32 @!p1 $0x1082;
	[sflag:s4] =	ssyncset.s32 $0xFFFFF086  }
0x25: {  	[simem:s6], [sflag:s4] =	dma.local [hbm:s3], $0xF7A  }
0x26: {  	[smem:$0x3F99] =	sst s1;
	(tag) =	ssettag s2;
	_ =	strace s9  }
0x27: {  	s1 =	sld [smem:$0x3FA9]  }
0x28: {  	s2 =	sld [smem:$0x3FAA]  }
0x29: {  	s4 =	sld [smem:$0x3FAC]  }
0x2a: {  	p0 =	seq.s32 s5, $0x0;
	s5 =	sld [smem:$0x3FAD]  }
0x2b: {  	s6 =	sld [smem:$0x3FAE]  }
0x2c: {  	s7 =	sld [smem:$0x3FAF]  }
0x2d: {  	s3 =	simm.s32 $0x108;
	s8 =	sld [smem:$0x3FB0]  }
0x2e: {  	s3 =	simm.s32 @!p0 $0x1082;
	s9 =	sld [smem:$0x3FB1]  }
0x2f: {  	lr =	sadd.s32 s0, s3;
	s0 =	sld [smem:$0x3FA8]  }
0x30: {  	s3 =	sld [smem:$0x3FAB]  }
0x31: {  	[smem:$0x3FB4] =	sst s10  }
0x32: {  	s10 =	sld [smem:$0x3FB2];
	_ =	sdelay $0x3  }
0x33: {  	p0 =	seq.s32 s10, $0x1;
	s10 =	sld [smem:$0x3FB4];
	_ =	sdelay $0x3  }
0x34: {  	[smem:$0x3FB4] =	sst s10  }
0x35: {  	s10 =	sld [smem:$0x3FB3];
	_ =	sdelay $0x3  }
0x36: {  	p1 =	seq.s32 s10, $0x1;
	s10 =	sld [smem:$0x3FB4];
	_ =	sdelay $0x3  }
0x37: {  	[smem:$0x3FB4] =	sst s10  }
0x38: {  	s10 =	sld [smem:$0x3FB5]  }
0x39: {  	_ = 	snop;
	(pc) =	sbr.ind lr, $3  }
0x3a: {  	_ = 	snop  }
0x3b: {  	_ = 	snop  }
0x3c: {  	p2 =	seq.s32 s10, $0x1;
	s10 =	sld [smem:$0x3FB4]  }
0x3d: {  	_ =	shalt  }
0x3e: {  	_ =	shalt  }
0x3f: {  	_ =	shalt  }
0x40: {  	_ =	shalt  }
0x41: {  	_ =	shalt  }
0x42: {  	_ =	shalt  }
0x43: {  	_ =	shalt  }
0x44: {  	_ =	shalt  }
0x45: {  	_ =	shalt  }
0x46: {  	_ =	shalt  }
0x47: {  	_ =	shalt  }
0x48: {  	_ =	shalt  }
0x49: {  	_ =	shalt  }
0x4a: {  	_ =	shalt  }
0x4b: {  	_ =	shalt  }
0x4c: {  	_ =	shalt  }
0x4d: {  	_ =	shalt  }
0x4e: {  	_ =	shalt  }
0x4f: {  	_ =	shalt  }
0x50: {  	_ =	shalt  }
0x51: {  	_ =	shalt  }
0x52: {  	_ =	shalt  }
0x53: {  	_ =	shalt  }
0x54: {  	_ =	shalt  }
0x55: {  	_ =	shalt  }
0x56: {  	_ =	shalt  }
0x57: {  	_ =	shalt  }
0x58: {  	_ =	shalt  }
0x59: {  	_ =	shalt  }
0x5a: {  	_ =	shalt  }
0x5b: {  	_ =	shalt  }
0x5c: {  	_ =	shalt  }
0x5d: {  	_ =	shalt  }
0x5e: {  	_ =	shalt  }
0x5f: {  	_ =	shalt  }
0x60: {  	_ =	shalt  }
0x61: {  	_ =	shalt  }
0x62: {  	_ =	shalt  }
0x63: {  	_ =	shalt  }
0x64: {  	_ =	shalt  }
0x65: {  	_ =	shalt  }
0x66: {  	_ =	shalt  }
0x67: {  	_ =	shalt  }
0x68: {  	_ =	shalt  }
0x69: {  	_ =	shalt  }
0x6a: {  	_ =	shalt  }
0x6b: {  	_ =	shalt  }
0x6c: {  	_ =	shalt  }
0x6d: {  	_ =	shalt  }
0x6e: {  	_ =	shalt  }
0x6f: {  	_ =	shalt  }
0x70: {  	_ =	shalt  }
0x71: {  	_ =	shalt  }
0x72: {  	_ =	shalt  }
0x73: {  	_ =	shalt  }
0x74: {  	_ =	shalt  }
0x75: {  	_ =	shalt  }
0x76: {  	_ =	shalt  }
0x77: {  	_ =	shalt  }
0x78: {  	_ =	shalt  }
0x79: {  	_ =	shalt  }
0x7a: {  	_ =	shalt  }
0x7b: {  	_ =	shalt  }
0x7c: {  	_ =	shalt  }
0x7d: {  	_ =	shalt  }
0x7e: {  	_ =	shalt  }
0x7f: {  	_ =	shalt  }
0x80: {  	_ =	shalt  }
0x81: {  	_ =	shalt  }
0x82: {  	_ =	shalt  }
0x83: {  	_ =	shalt  }
0x84: {  	_ =	shalt  }
0x85: {  	_ =	shalt  }
0x86: {  	_ =	shalt  }
0x87: {  	_ =	shalt  }
.Lfunc_end0:
.L_simem_size_0:
called_computation.2_lowered:
.L_overlay_start_0:
0x88: {  	s2 =	sld [smem:$0x3FD9]  }
0x89: {  	s3 =	sld [smem:$0x3FFE];
	_ =	sdelay $0x1  }
0x8a: {  	s1 =	srdreg.scid  }
0x8b: {  	s0 =	sand.u32 $0x1, s1  }
0x8c: {  	s14 =	sshll.u32 s0, $0xA;
	s2 =	sadd.s32 s3, s2  }
0x8d: {  	s2 =	sadd.s32 s2, s14  }
0x8e: {  	[smem:$0x3FC0] =	sst s2  }
0x8f: {  	_ = 	snop  }
0x90: {  	s2 =	sld [smem:$0x3FD0];
	_ =	sdelay $0x2  }
0x91: {  	s15 =	simm.s32 $0xB;
	s4 =	simm.s32 $0x10  }
0x92: {  	[smem:s4], [sflag:s15] =	dma.local [hbm:s2], $0x1  }
0x93: {  	_ =	swait.eq [sflag:s15], $0x1  }
0x94: {  	[sflag:s15] =	ssyncset.done $0x0  }
0x95: {  	[sflag:s15] =	ssyncadd.s32 $0xFFFFFFFF  }
0x96: {  	s16 =	sld [smem:$0x11];
	(tm) =	ssettm $0x1  }
0x97: {  	s17 =	sld [smem:$0x3FFB];
	_ =	sdelay $0x3  }
0x98: {  	_ =	strace s17  }
0x99: {  	s3 =	sld [smem:$0x3FFC];
	_ =	sdelay $0x3  }
0x9a: {  	_ =	strace s3  }
0x9b: {  	s3 =	sld [smem:$0x3FFD];
	_ =	sdelay $0x3  }
0x9c: {  	_ =	strace s3  }
0x9d: {  	_ =	strace $0x8FFFFFFF  }
0x9e: {  	s18 =	sld [smem:$0x3FDB];
	_ =	sdelay $0x1  }
0x9f: {  	s19 =	simm.s32 $_scs_section_size  }
0xa0: {  	s5 =	simm.s32 $_size__tile_overlayer_lowered;
	s6 =	simm.s32 $_tile_overlayer_lowered  }
0xa1: {  	s22 =	simm.s32 $0x1BFF;
	s21 =	sshll.u32 s6, $0x1;
	s3 =	sadd.s32 s19, s18  }
0xa2: {  	s7 =	simm.s32 $0x0;
	s20 =	sshll.u32 s5, $0x1;
	s5 =	sadd.s32 s21, s3  }
0xa3: {  	[timem:s7], [sflag:s22] =	dma.local [hbm:s5], s20  }
0xa4: {  	_ =	swait.ge [sflag:s22], s20  }
0xa5: {  	s4 =	ssub.s32 $0x0, s20;
	[sflag:s22] =	ssyncset.done $0x0  }
0xa6: {  	[sflag:s22] =	ssyncadd.s32 s4;
	_ =	sdelay $0x1  }
0xa7: {  	s23 =	simm.s32 $0x1B8B  }
0xa8: {  	_ =	swait.ge [sflag:s23], $0x1  }
0xa9: {  	[sflag:s23] =	ssyncset.done $0x0  }
0xaa: {  	s25 =	simm.s32 $0x1B8E;
	s24 =	sld [smem:$0x3FFE];
	[sflag:s23] =	ssyncadd.s32 $0xFFFFFFFF  }
0xab: {  	s26 =	simm.s32 $execute0_lowered;
	[smem:$0x3FD2] =	sst s25  }
0xac: {  	s5 =	sshll.u32 s26, $0x1;
	_ =	strace $0x8000004C;
	[dreg:$0x1] =	wrdreg $0xFFFFFFFF  }
0xad: {  	s28 =	simm.s32 $_size_execute0_lowered;
	s3 =	sadd.s32 s3, s5;
	[dreg:$0x0] =	wrdreg $0x0  }
0xae: {  	s5 =	sshll.u32 s28, $0x1;
	[dreg:$0x2] =	wrdreg s3  }
0xaf: {  	[dreg:$0x3] =	wrdreg s5  }
0xb0: {  	[dreg:$0x4] =	wrdreg $0xC0  }
0xb1: {  	_ =	task [dreg:s7], $0x5FFFF  }
0xb2: {  	[dreg:$0x1] =	wrdreg $0xFFFFFFFF  }
0xb3: {  	[dreg:$0x0] =	wrdreg $0x60  }
0xb4: {  	[dreg:$0x2] =	wrdreg s24  }
0xb5: {  	[dreg:$0x3] =	wrdreg s16  }
0xb6: {  	[dreg:$0x4] =	wrdreg $0x9  }
0xb7: {  	_ =	task.clear_ibuf [dreg:s7], $0x5FFFF;
	_ =	strace $0x9000004C  }
0xb8: {  	s29 =	simm.s32 $0x9;
	_ =	strace $0x8000004E  }
0xb9: {  	_ =	swait.ge [sflag:s29], $0x1  }
0xba: {  	[sflag:s29] =	ssyncadd.s32 $0xFFFFFFFF  }
0xbb: {  	_ =	strace $0x9000004E  }
0xbc: {  	_ =	sfence  }
0xbd: {  	s30 =	sld [smem:$0x0];
	_ =	sdelay $0x2  }
0xbe: {  	s31 =	sshll.u32 s1, $0xD;
	s1 =	sshrl.u32 s1, $0x2  }
0xbf: {  	s3 =	sand.u32 $0x4000, s31;
	s1 =	sadd.s32 s1, s30  }
0xc0: {  	s0 =	sor.u32 s3, s0;
	s1 =	sshll.u32 s1, $0x11  }
0xc1: {  	s0 =	sor.u32 s1, s0  }
0xc2: {  	s0 =	sadd.s32 $0x8F2B, s0  }
0xc3: {  	[sflag:s0] =	ssyncadd.remote.s32 $0x1  }
0xc4: {  	_ =	sfence.sel $0xFFFF  }
0xc5: {  	[dreg:$0x0] =	wrdreg $0xFFFFFFFF;
	(pc) =	sbr.abs _section_cstart, $3  }
0xc6: {  	[dreg:$0x1] =	wrdreg $0xFFFFFFFF  }
0xc7: {  	_ =	task.clear_ibuf [dreg:s7], $0x2FFFF;
	_ =	strace $0x9FFFFFFF  }
0xc8: {  	(tm) =	ssettm $0x7FFFFFFF  }
0xc9: {  	_ =	shalt  }
tec
execute0_lowered:
.L_overlay_start_1:
0x0: {  	(tag) =	ssettag $0x1  }
0x1: {  	s0 =	rddreg [dreg:$0x0]  }
0x2: {  	s24 =	rddreg [dreg:$0x1];
	s2 =	simm.s32 $0x0;
	s1 =	srdreg.scid  }
0x3: {  	s5 =	stileid.u32;
	s11 =	simm.s32 $0x2;
	s12 =	simm.s32 $0x80  }
0x4: {  	s28 =	simm.s32 $0x7880;
	s29 =	simm.s32 $0x8080;
	s30 =	simm.s32 $0x8880  }
0x5: {  	s31 =	simm.s32 $0x9080;
	s10 =	simm.s32 $0xA880;
	s13 =	simm.s32 $0xB880  }
0x6: {  	s14 =	simm.s32 $0xC080;
	s15 =	simm.s32 $0xC880;
	s16 =	simm.s32 $0xD080  }
0x7: {  	s17 =	simm.s32 $0xD880;
	s18 =	simm.s32 $0xE080;
	s19 =	simm.s32 $0xE880  }
0x8: {  	s20 =	simm.s32 $0xF080;
	s21 =	simm.s32 $0xF880;
	s22 =	simm.s32 $0x1  }
0x9: {  	s25 =	simm.s32 $0x0;
	[smem:$0x7FF] =	sst s2;
	s1 =	sand.u32 $0x1, s1  }
0xa: {  	s4 =	sadd.s32 $0x2C00, s0;
	s7 =	sshll.u32 s5, $0x8;
	s5 =	sadd.s32 $0x330800, s0  }
0xb: {  	s8 =	sadd.s32 $0x2E00, s0;
	s9 =	sadd.s32 $0x2F00, s0;
	s3 =	ssub.s32 $0x2, s1  }
0xc: {  	_ =	strace $0x8000004D;
	s1 =	sshll.u32 s1, $0x7;
	s6 =	sshrl.u32 s3, $0x1  }
0xd: {  	v2 =	vlaneseq.u32;
	s3 =	ssub.s32 s3, s6;
	s6 =	sor.u32 s1, s7;
	s7 =	sadd.s32 $0x2D00, s0  }
0xe: {  	vm0 =	vmmov $0xffff;
	v1 =	vshrl.u32 v2, $0x3;
	s0 =	simm.s32 $0x9880;
	s1 =	simm.s32 $0xB080;
	s26 =	smax.u32 s3, $0x1  }
0xf: {  	v0 =	vand.u32 $0x7, v2;
	v2 =	vor.u32 $0x8, v2;
	v1 =	vmul.u32 $0x8, v1;
	s3 =	simm.s32 $0xA080;
	[dreg:$0x3] =	wrdreg s26;
	s26 =	simm.s32 $0x7080  }
.LBB2_1:
0x10: {  	[dreg:$0x4] =	wrdreg s25;
	p0 =	por $0x1, $0x1;
	s23 =	simm.s32 $0x0  }
.LBB2_2:
0x11: {  	s23 =	sor.u32 s6, s23  }
0x12: {  	s25 =	smov.u32 s24;
	s24 =	sshrl.u32 s23, $0x3  }
0x13: {  	s24 =	sadd.s32 s5, s24  }
0x14: {  	[tilespmem:s2], [sflag:$0x2] =	stream.linear.gather [hbm4b:s24+s2], $0x40, $0x38;
	[tilespmem:$0x10080] =	vst v63  }
0x15: {  	_ =	swait.ge [sflag:s11], $0x40  }
0x16: {  	[sflag:s11] =	ssyncset.done $0x0  }
0x17: {  	[sflag:s11] =	ssyncadd.s32 $0xFFFFFFC0  }
0x18: {  	v3 =	vld [tilespmem:$0x0];
	_ =	sdelay $0x4  }
0x19: {  	v4 =	vshll.u32 v3, $0x3  }
0x1a: {  	v3 =	vand.u32 $0x7, v3;
	v4 =	vand.u32 $0xFFFFFFC0, v4  }
0x1b: {  	v3 =	vor.u32 v3, v4  }
0x1c: {  	v4 =	vperm.xlane v3, v0;
	_ =	sdelay $0x1  }
0x1d: {  	v4 =	vadd.s32 v1, v4;
	_ =	sdelay $0x4  }
0x1e: {  	[tilespmem:s12], [sflag:$0x1] =	stream.indirect_vreg.gather [hbm4b:s4+s2], $0x80, v4, vm0, $0xb8;
	[tilespmem:$0x10080] =	vst v63  }
0x1f: {  	s24 =	smov.u32 s25;
	s25 =	simm.s32 $0x880;
	v3 =	vperm.xlane v3, v2  }
0x20: {  	[tilespmem:s25], [sflag:$0x1] =	stream.indirect_vreg.gather [hbm4b:s7+s2], $0x80, v4, vm0, $0xb8;
	[tilespmem:$0x10080] =	vst v63  }
0x21: {  	v3 =	vadd.s32 v1, v3;
	s25 =	simm.s32 $0x1080  }
0x22: {  	[tilespmem:s25], [sflag:$0x1] =	stream.indirect_vreg.gather [hbm4b:s8+s2], $0x80, v4, vm0, $0xb8;
	[tilespmem:$0x10080] =	vst v63  }
0x23: {  	s25 =	simm.s32 $0x1880  }
0x24: {  	[tilespmem:s25], [sflag:$0x1] =	stream.indirect_vreg.gather [hbm4b:s9+s2], $0x80, v4, vm0, $0xb8;
	[tilespmem:$0x10080] =	vst v63  }
0x25: {  	s25 =	simm.s32 $0x2080  }
0x26: {  	[tilespmem:s25], [sflag:$0x1] =	stream.indirect_vreg.gather [hbm4b:s4+s2], $0x80, v3, vm0, $0xb8;
	[tilespmem:$0x10080] =	vst v63  }
0x27: {  	s25 =	simm.s32 $0x2880  }
0x28: {  	[tilespmem:s25], [sflag:$0x1] =	stream.indirect_vreg.gather [hbm4b:s7+s2], $0x80, v3, vm0, $0xb8;
	[tilespmem:$0x10080] =	vst v63  }
0x29: {  	s25 =	simm.s32 $0x3080  }
0x2a: {  	[tilespmem:s25], [sflag:$0x1] =	stream.indirect_vreg.gather [hbm4b:s8+s2], $0x80, v3, vm0, $0xb8;
	[tilespmem:$0x10080] =	vst v63  }
0x2b: {  	s25 =	simm.s32 $0x3880  }
0x2c: {  	[tilespmem:s25], [sflag:$0x1] =	stream.indirect_vreg.gather [hbm4b:s9+s2], $0x80, v3, vm0, $0xb8;
	[tilespmem:$0x10080] =	vst v63  }
0x2d: {  	v3 =	vld [tilespmem:$0x10];
	_ =	sdelay $0x4  }
0x2e: {  	v61 =	vshll.u32 v3, $0x3  }
0x2f: {  	v3 =	vand.u32 $0x7, v3;
	v4 =	vand.u32 $0xFFFFFFC0, v61  }
0x30: {  	v3 =	vor.u32 v3, v4  }
0x31: {  	v4 =	vperm.xlane v3, v0;
	_ =	sdelay $0x1  }
0x32: {  	v4 =	vadd.s32 v1, v4;
	_ =	sdelay $0x3  }
0x33: {  	s25 =	simm.s32 $0x4080  }
0x34: {  	[tilespmem:s25], [sflag:$0x1] =	stream.indirect_vreg.gather [hbm4b:s4+s2], $0x80, v4, vm0, $0xb8;
	[tilespmem:$0x10080] =	vst v63  }
0x35: {  	v3 =	vperm.xlane v3, v2;
	s25 =	simm.s32 $0x4880  }
0x36: {  	[tilespmem:s25], [sflag:$0x1] =	stream.indirect_vreg.gather [hbm4b:s7+s2], $0x80, v4, vm0, $0xb8;
	[tilespmem:$0x10080] =	vst v63  }
0x37: {  	v3 =	vadd.s32 v1, v3;
	s25 =	simm.s32 $0x5080  }
0x38: {  	[tilespmem:s25], [sflag:$0x1] =	stream.indirect_vreg.gather [hbm4b:s8+s2], $0x80, v4, vm0, $0xb8;
	[tilespmem:$0x10080] =	vst v63  }
0x39: {  	s25 =	simm.s32 $0x5880  }
0x3a: {  	[tilespmem:s25], [sflag:$0x1] =	stream.indirect_vreg.gather [hbm4b:s9+s2], $0x80, v4, vm0, $0xb8;
	[tilespmem:$0x10080] =	vst v63  }
0x3b: {  	s25 =	simm.s32 $0x6080  }
0x3c: {  	[tilespmem:s25], [sflag:$0x1] =	stream.indirect_vreg.gather [hbm4b:s4+s2], $0x80, v3, vm0, $0xb8;
	[tilespmem:$0x10080] =	vst v63  }
0x3d: {  	s25 =	simm.s32 $0x6880  }
0x3e: {  	[tilespmem:s25], [sflag:$0x1] =	stream.indirect_vreg.gather [hbm4b:s7+s2], $0x80, v3, vm0, $0xb8;
	[tilespmem:$0x10080] =	vst v63  }
0x3f: {  	_ = 	snop  }
0x40: {  	[tilespmem:s26], [sflag:$0x1] =	stream.indirect_vreg.gather [hbm4b:s8+s2], $0x80, v3, vm0, $0xb8;
	[tilespmem:$0x10080] =	vst v63  }
0x41: {  	_ = 	snop  }
0x42: {  	[tilespmem:s28], [sflag:$0x1] =	stream.indirect_vreg.gather [hbm4b:s9+s2], $0x80, v3, vm0, $0xb8;
	[tilespmem:$0x10080] =	vst v63  }
0x43: {  	v3 =	vld [tilespmem:$0x20];
	_ =	sdelay $0x4  }
0x44: {  	v62 =	vshll.u32 v3, $0x3  }
0x45: {  	v3 =	vand.u32 $0x7, v3;
	v4 =	vand.u32 $0xFFFFFFC0, v62  }
0x46: {  	v3 =	vor.u32 v3, v4  }
0x47: {  	v4 =	vperm.xlane v3, v0;
	_ =	sdelay $0x1  }
0x48: {  	v4 =	vadd.s32 v1, v4;
	_ =	sdelay $0x4  }
0x49: {  	[tilespmem:s29], [sflag:$0x1] =	stream.indirect_vreg.gather [hbm4b:s4+s2], $0x80, v4, vm0, $0xb8;
	[tilespmem:$0x10080] =	vst v63  }
0x4a: {  	v3 =	vperm.xlane v3, v2  }
0x4b: {  	[tilespmem:s30], [sflag:$0x1] =	stream.indirect_vreg.gather [hbm4b:s7+s2], $0x80, v4, vm0, $0xb8;
	[tilespmem:$0x10080] =	vst v63  }
0x4c: {  	v3 =	vadd.s32 v1, v3  }
0x4d: {  	[tilespmem:s31], [sflag:$0x1] =	stream.indirect_vreg.gather [hbm4b:s8+s2], $0x80, v4, vm0, $0xb8;
	[tilespmem:$0x10080] =	vst v63  }
0x4e: {  	_ = 	snop  }
0x4f: {  	[tilespmem:s0], [sflag:$0x1] =	stream.indirect_vreg.gather [hbm4b:s9+s2], $0x80, v4, vm0, $0xb8;
	[tilespmem:$0x10080] =	vst v63  }
0x50: {  	_ = 	snop  }
0x51: {  	[tilespmem:s3], [sflag:$0x1] =	stream.indirect_vreg.gather [hbm4b:s4+s2], $0x80, v3, vm0, $0xb8;
	[tilespmem:$0x10080] =	vst v63  }
0x52: {  	_ = 	snop  }
0x53: {  	[tilespmem:s10], [sflag:$0x1] =	stream.indirect_vreg.gather [hbm4b:s7+s2], $0x80, v3, vm0, $0xb8;
	[tilespmem:$0x10080] =	vst v63  }
0x54: {  	_ = 	snop  }
0x55: {  	[tilespmem:s1], [sflag:$0x1] =	stream.indirect_vreg.gather [hbm4b:s8+s2], $0x80, v3, vm0, $0xb8;
	[tilespmem:$0x10080] =	vst v63  }
0x56: {  	_ = 	snop  }
0x57: {  	[tilespmem:s13], [sflag:$0x1] =	stream.indirect_vreg.gather [hbm4b:s9+s2], $0x80, v3, vm0, $0xb8;
	[tilespmem:$0x10080] =	vst v63  }
0x58: {  	v3 =	vld [tilespmem:$0x30];
	_ =	sdelay $0x4  }
0x59: {  	v63 =	vshll.u32 v3, $0x3  }
0x5a: {  	v3 =	vand.u32 $0x7, v3;
	v4 =	vand.u32 $0xFFFFFFC0, v63  }
0x5b: {  	v3 =	vor.u32 v3, v4  }
0x5c: {  	v4 =	vperm.xlane v3, v0;
	_ =	sdelay $0x1  }
0x5d: {  	v4 =	vadd.s32 v1, v4;
	_ =	sdelay $0x4  }
0x5e: {  	[tilespmem:s14], [sflag:$0x1] =	stream.indirect_vreg.gather [hbm4b:s4+s2], $0x80, v4, vm0, $0xb8;
	[tilespmem:$0x10080] =	vst v63  }
0x5f: {  	v3 =	vperm.xlane v3, v2  }
0x60: {  	[tilespmem:s15], [sflag:$0x1] =	stream.indirect_vreg.gather [hbm4b:s7+s2], $0x80, v4, vm0, $0xb8;
	[tilespmem:$0x10080] =	vst v63  }
0x61: {  	v3 =	vadd.s32 v1, v3  }
0x62: {  	[tilespmem:s16], [sflag:$0x1] =	stream.indirect_vreg.gather [hbm4b:s8+s2], $0x80, v4, vm0, $0xb8;
	[tilespmem:$0x10080] =	vst v63  }
0x63: {  	_ = 	snop  }
0x64: {  	[tilespmem:s17], [sflag:$0x1] =	stream.indirect_vreg.gather [hbm4b:s9+s2], $0x80, v4, vm0, $0xb8;
	[tilespmem:$0x10080] =	vst v63  }
0x65: {  	_ = 	snop  }
0x66: {  	[tilespmem:s18], [sflag:$0x1] =	stream.indirect_vreg.gather [hbm4b:s4+s2], $0x80, v3, vm0, $0xb8;
	[tilespmem:$0x10080] =	vst v63  }
0x67: {  	_ = 	snop  }
0x68: {  	[tilespmem:s19], [sflag:$0x1] =	stream.indirect_vreg.gather [hbm4b:s7+s2], $0x80, v3, vm0, $0xb8;
	[tilespmem:$0x10080] =	vst v63  }
0x69: {  	_ = 	snop  }
0x6a: {  	[tilespmem:s20], [sflag:$0x1] =	stream.indirect_vreg.gather [hbm4b:s8+s2], $0x80, v3, vm0, $0xb8;
	[tilespmem:$0x10080] =	vst v63  }
0x6b: {  	_ = 	snop  }
0x6c: {  	[tilespmem:s21], [sflag:$0x1] =	stream.indirect_vreg.gather [hbm4b:s9+s2], $0x80, v3, vm0, $0xb8;
	[tilespmem:$0x10080] =	vst v63  }
0x6d: {  	_ =	swait.ge [sflag:s22], $0x10000  }
0x6e: {  	p1 =	por p0, p0;
	s23 =	sshll.u32 s23, $0x7;
	[sflag:s22] =	ssyncset.done $0x0  }
.Ltmp0:
0x6f: {  	s23 =	sadd.s32 s24, s23;
	[sflag:s22] =	ssyncadd.s32 $0xFFFF0000;
	(pc) =	sbr.rel @p1 .LBB2_2-.Ltmp0, $4  }
0x70: {  	[hbm4b:s23+s2] =	stream.linear.scatter [tilespmem:s12], [sflag:$0x2], $0x10000, $0x38;
	[tilespmem:$0x10080] =	vst v63  }
0x71: {  	_ =	swait.ge [sflag:s11], $0x10000  }
0x72: {  	[sflag:s11] =	ssyncset.done $0x0  }
0x73: {  	p0 =	por $0x0, $0x0;
	s23 =	simm.s32 $0x40;
	[sflag:s11] =	ssyncadd.s32 $0xFFFF0000  }
0x74: {  	s25 =	rddreg [dreg:$0x4]  }
0x75: {  	s23 =	rddreg [dreg:$0x3];
	s25 =	sadd.s32 $0x1, s25  }
0x76: {  	p0 =	sne.s32 s25, s23  }
.Ltmp1:
0x77: {  	_ = 	snop;
	(pc) =	sbr.rel @p0 .LBB2_1-.Ltmp1, $1  }
0x78: {  	_ =	sdelay $0x3  }
0x79: {  	_ =	sfence.sel $0x180000  }
0x7a: {  	[bflag:$0x0] =	sbarrier.arrive $0xFFFF  }
0x7b: {  	_ =	strace $0x9000004D  }
0x7c: {  	s0 =	stileid.u32;
	[bflag:$0x2] =	sbarrier.arrive $0xFFFF  }
0x7d: {  	p0 =	sne.s32 s0, $0x0;
	s0 =	rddreg [dreg:$0x2]  }
0x7e: {  	s0 =	sadd.s32 @!p0 $0x100000, s0  }
0x7f: {  	[sflag:s0] =	ssyncadd.tile.s32 @!p0 $0x1;
	_ =	shalt  }
.Lfunc_end2:
_tile_overlayer_lowered:
.L_overlay_start_2:
0x80: {  	(tag) =	ssettag $0x2  }
0x81: {  	s0 =	rddreg [dreg:$0x0];
	s2 =	stileid.u32  }
0x82: {  	s1 =	rddreg [dreg:$0x1];
	p0 =	sne.s32 s2, $0x0  }
0x83: {  	s3 =	rddreg [dreg:$0x2];
	[bflag:$0x3] =	sbarrier.arrive $0xFFFF;
	s2 =	simm.s32 @!p0 $0x1C02  }
0x84: {  	[timem:s3], [sflag:s2] =	dma.local @!p0 [hbm:s0], s1  }
0x85: {  	s0 =	simm.s32 @!p0 $0x2  }
0x86: {  	_ =	swait.ge @!p0 [sflag:s0], s1  }
0x87: {  	s1 =	ssub.s32 @!p0 $0x0, s1;
	[sflag:s0] =	ssyncset.done @!p0 $0x0  }
0x88: {  	[sflag:s0] =	ssyncadd.s32 @!p0 s1  }
0x89: {  	[bflag:$0x3] =	sbarrier.arrive $0xFFFF  }
0x8a: {  	_ =	shalt  }

// kernel: sparse-core-data-format-call.cloned.1.call-start
scs
called_computation_lowered:
.L_overlay_start_0:
0x0: {  	s1 =	sld [smem:$0x3FD9]  }
0x1: {  	s2 =	sld [smem:$0x3FFE];
	_ =	sdelay $0x1  }
0x2: {  	s3 =	srdreg.scid  }
0x3: {  	s0 =	sand.u32 $0x1, s3  }
0x4: {  	s17 =	sshll.u32 s0, $0xA;
	s1 =	sadd.s32 s2, s1  }
0x5: {  	s1 =	sadd.s32 s1, s17  }
0x6: {  	[smem:$0x3FC0] =	sst s1  }
0x7: {  	_ = 	snop  }
0x8: {  	(tm) =	ssettm $0x1  }
0x9: {  	s18 =	sld [smem:$0x3FFB];
	_ =	sdelay $0x3  }
0xa: {  	_ =	strace s18  }
0xb: {  	s1 =	sld [smem:$0x3FFC];
	_ =	sdelay $0x3  }
0xc: {  	_ =	strace s1  }
0xd: {  	s1 =	sld [smem:$0x3FFD];
	_ =	sdelay $0x3  }
0xe: {  	_ =	strace s1  }
0xf: {  	_ =	strace $0x8FFFFFFF  }
0x10: {  	s19 =	sld [smem:$0x3FDB];
	_ =	sdelay $0x1  }
0x11: {  	s20 =	simm.s32 $_scs_section_size  }
0x12: {  	s4 =	simm.s32 $_size__tile_overlayer_lowered;
	s5 =	simm.s32 $_tile_overlayer_lowered  }
0x13: {  	s23 =	simm.s32 $0x1BFF;
	s22 =	sshll.u32 s5, $0x1;
	s1 =	sadd.s32 s20, s19  }
0x14: {  	s6 =	simm.s32 $0x0;
	s21 =	sshll.u32 s4, $0x1;
	s4 =	sadd.s32 s22, s1  }
0x15: {  	[timem:s6], [sflag:s23] =	dma.local [hbm:s4], s21  }
0x16: {  	_ =	swait.ge [sflag:s23], s21  }
0x17: {  	s2 =	ssub.s32 $0x0, s21;
	[sflag:s23] =	ssyncset.done $0x0  }
0x18: {  	[sflag:s23] =	ssyncadd.s32 s2;
	_ =	sdelay $0x1  }
0x19: {  	s24 =	simm.s32 $0x1B8B  }
0x1a: {  	_ =	swait.ge [sflag:s24], $0x1  }
0x1b: {  	[sflag:s24] =	ssyncset.done $0x0  }
0x1c: {  	s26 =	simm.s32 $0x1B8E;
	s25 =	sld [smem:$0x3FFE];
	[sflag:s24] =	ssyncadd.s32 $0xFFFFFFFF  }
0x1d: {  	s27 =	simm.s32 $execute0_lowered;
	[smem:$0x3FD2] =	sst s26  }
0x1e: {  	s4 =	sshll.u32 s27, $0x1;
	_ =	strace $0x80000046;
	[dreg:$0x1] =	wrdreg $0xFFFFFFFF  }
0x1f: {  	s28 =	simm.s32 $_size_execute0_lowered;
	s1 =	sadd.s32 s1, s4;
	[dreg:$0x0] =	wrdreg $0x0  }
0x20: {  	s4 =	sshll.u32 s28, $0x1;
	[dreg:$0x2] =	wrdreg s1  }
0x21: {  	[dreg:$0x3] =	wrdreg s4  }
0x22: {  	[dreg:$0x4] =	wrdreg $0xC0  }
0x23: {  	_ =	task [dreg:s6], $0x5FFFF  }
0x24: {  	[dreg:$0x1] =	wrdreg $0xFFFFFFFF  }
0x25: {  	[dreg:$0x0] =	wrdreg $0x60  }
0x26: {  	[dreg:$0x2] =	wrdreg s25  }
0x27: {  	[dreg:$0x3] =	wrdreg $0x9  }
0x28: {  	_ =	task.clear_ibuf [dreg:s6], $0x4FFFF;
	_ =	strace $0x90000046  }
0x29: {  	s29 =	simm.s32 $0x9;
	_ =	strace $0x80000048  }
0x2a: {  	_ =	swait.ge [sflag:s29], $0x1  }
0x2b: {  	[sflag:s29] =	ssyncadd.s32 $0xFFFFFFFF  }
0x2c: {  	_ =	strace $0x90000048  }
0x2d: {  	_ =	sfence  }
0x2e: {  	s30 =	sld [smem:$0x0];
	_ =	sdelay $0x2  }
0x2f: {  	s31 =	sshll.u32 s3, $0xD;
	s3 =	sshrl.u32 s3, $0x2  }
0x30: {  	s2 =	sand.u32 $0x4000, s31;
	s1 =	sadd.s32 s3, s30  }
0x31: {  	s0 =	sor.u32 s2, s0;
	s1 =	sshll.u32 s1, $0x11  }
0x32: {  	s0 =	sor.u32 s1, s0  }
0x33: {  	s0 =	sadd.s32 $0x8F2B, s0  }
0x34: {  	[sflag:s0] =	ssyncadd.remote.s32 $0x1  }
0x35: {  	_ =	sfence.sel $0xFFFF  }
0x36: {  	[dreg:$0x0] =	wrdreg $0xFFFFFFFF;
	(pc) =	sbr.abs _section_cstart, $3  }
0x37: {  	[dreg:$0x1] =	wrdreg $0xFFFFFFFF  }
0x38: {  	_ =	task.clear_ibuf [dreg:s6], $0x2FFFF;
	_ =	strace $0x9FFFFFFF  }
0x39: {  	(tm) =	ssettm $0x7FFFFFFF  }
tec
execute0_lowered:
.L_overlay_start_1:
0x0: {  	(tag) =	ssettag $0x1  }
0x1: {  	s0 =	srdreg.scid  }
0x2: {  	s4 =	rddreg [dreg:$0x0];
	s1 =	stileid.u32  }
0x3: {  	s5 =	simm.s32 $0x1;
	s7 =	simm.s32 $0x2;
	s0 =	sshll.u32 s0, $0x4  }
0x4: {  	s11 =	simm.s32 $0x0;
	p0 =	por $0x0, $0x0;
	s2 =	sand.u32 $0x10, s0  }
.Ltmp0:
0x5: {  	s8 =	simm.s32 $0x61C00;
	s3 =	sor.u32 s1, s2;
	(pc) =	sbr.rel .LBB1_1-.Ltmp0, $4  }
0x6: {  	s10 =	simm.s32 $0x0;
	s0 =	rddreg [dreg:$0x1];
	s3 =	sshll.u32 s3, $0x7  }
0x7: {  	_ =	strace $0x80000047;
	s2 =	sadd.s32 $0x2C00, s4;
	s6 =	ssub.s32 $0x18680, s3  }
0x8: {  	s4 =	sadd.s32 $0x189600, s4;
	[sflag:s5] =	ssyncpa.u1 $0x0;
	s6 =	sshrl.u32 s6, $0xC  }
0x9: {  	[sflag:s7] =	ssyncpa.u1 $0x0;
	s9 =	smov.u32 s3;
	s7 =	sadd.s32 $0x2, s6  }
.LBB1_5:
0xa: {  	s13 =	sadd.s32 $0x1000, s9  }
0xb: {  	p2 =	sgt.s32 s13, $0x1869F  }
0xc: {  	s13 =	smov.u32 @p2 s3;
	p2 =	sne.s32 s10, s7  }
.Ltmp1:
0xd: {  	p1 =	slt.u32 s10, $0x2;
	(pc) =	sbr.rel @!p2 .LBB1_6-.Ltmp1, $4  }
0xe: {  	s12 =	simm.s32 @!p1 $0x2  }
0xf: {  	s14 =	sadd.s32 $0x1, s10;
	_ =	swait.ge @!p1 [sflag:s12], $0x4000  }
0x10: {  	s11 =	smov.u32 s9;
	p0 =	por !p0, !p0;
	[sflag:s12] =	ssyncset.done @!p1 $0x0  }
0x11: {  	s10 =	smov.u32 s14;
	s9 =	smov.u32 s13;
	[sflag:s12] =	ssyncadd.s32 @!p1 $0xFFFFC000  }
.LBB1_1:
0x12: {  	p1 =	sgt.u32 s10, s6  }
0x13: {  	s12 =	sshll.u32 @!p1 s9, $0x8;
	s13 =	sshll.u32 @!p1 s9, $0x7  }
0x14: {  	s12 =	sand.u32 @!p1 $0xFFFFF800, s12;
	s13 =	sand.u32 @!p1 $0x300, s13  }
0x15: {  	p2 =	sgt.s32 @!p1 s9, $0x18620;
	s14 =	sshra.s32 @!p1 s9, $0x1F;
	s12 =	sor.u32 @!p1 s13, s12  }
0x16: {  	p2 =	por !p2, p1;
	s13 =	smov.u32 s9;
	s12 =	sshrl.u32 @!p1 s12, $0x8  }
0x17: {  	s14 =	sand.u32 @!p1 s14, s9;
	s13 =	simm.s32 @p2 $0x18620;
	s15 =	smulhi.u32 @!p1 $0x14F8B59, s12  }
0x18: {  	s13 =	ssub.s32 @!p1 s13, s14  }
0x19: {  	s13 =	sadd.s32 @!p1 $0xFFFE79E0, s13;
	s14 =	sshrl.u32 @!p1 s15, $0x9  }
0x1a: {  	s15 =	sshll.u32 @!p1 s13, $0x9;
	s14 =	smul.u32 @!p1 $0x186A0, s14  }
0x1b: {  	p2 =	sgt.s32 @!p1 s13, $0x7F;
	s13 =	sxor.u32 @!p1 $0xFFFFFFFF, s10;
	s15 =	ssub.s32 @!p1 $0x10000, s15  }
0x1c: {  	p2 =	por !p2, p1;
	s13 =	sshll.u32 @!p1 s13, $0xE;
	s12 =	ssub.s32 @!p1 s12, s14  }
0x1d: {  	s13 =	sand.u32 @!p1 $0x4000, s13;
	s14 =	sshrl.u32 @!p1 s15, $0x2;
	s12 =	sshll.u32 @!p1 s12, $0x4  }
0x1e: {  	s15 =	simm.s32 @!p1 $0x0;
	s14 =	simm.s32 @!p2 $0x0;
	s12 =	sadd.s32 @!p1 s2, s12  }
0x1f: {  	[tilespmem:s13], [sflag:$0x1] =	stream.linear.gather @!p1 [hbm4b:s12+s15], s14, $0x38;
	[tilespmem:$0x10100] =	vst v63  }
0x20: {  	p1 =	seq.s32 s10, $0x0  }
0x21: {  	p2 =	sge.u32 @!p1 s10, s7  }
0x22: {  	p1 =	por p1, p2  }
.Ltmp2:
0x23: {  	_ = 	snop;
	(pc) =	sbr.rel @p1 .LBB1_5-.Ltmp2, $1  }
0x24: {  	_ =	sdelay $0x3  }
0x25: {  	p1 =	sgt.s32 s11, $0x18620;
	s12 =	smov.u32 s11;
	s13 =	sshra.s32 s11, $0x1F  }
0x26: {  	s12 =	simm.s32 @!p1 $0x18620;
	s13 =	sand.u32 s13, s11  }
0x27: {  	s12 =	ssub.s32 s12, s13  }
0x28: {  	s12 =	sadd.s32 $0xFFFE79E0, s12  }
0x29: {  	s28 =	sshll.u32 s12, $0x9  }
0x2a: {  	s13 =	ssub.s32 $0x10000, s28  }
0x2b: {  	s16 =	simm.s32 $0x0;
	p1 =	sgt.s32 s12, $0x7F;
	s12 =	sshrl.u32 s13, $0x2  }
0x2c: {  	s15 =	sand.u32 $0x1, s10;
	s29 =	sand.u32 $0x3C00, s16;
	s12 =	simm.s32 @p1 $0x0  }
0x2d: {  	s16 =	sand.u32 $0x180, s16;
	s13 =	sshll.u32 s15, $0xE;
	_ =	swait.ge [sflag:s5], s12  }
0x2e: {  	s14 =	ssub.s32 $0x0, s12;
	s12 =	sadd.s32 s29, s13;
	[sflag:s5] =	ssyncset.done $0x0  }
0x2f: {  	s17 =	sadd.s32 s16, s12;
	[sflag:s5] =	ssyncadd.s32 s14  }
0x30: {  	v0 =	vld [tilespmem:s17+$0x260]  }
0x31: {  	v1 =	vld [tilespmem:s17+$0x270]  }
0x32: {  	v2 =	vld [tilespmem:s17+$0x0]  }
0x33: {  	v3 =	vld [tilespmem:s17+$0x10]  }
0x34: {  	v4 =	vld [tilespmem:s17+$0x20]  }
0x35: {  	s12 =	simm.s32 $0x1;
	v5 =	vld [tilespmem:s17+$0x30]  }
0x36: {  	s12 =	simm.s32 @!p0 $0x0;
	v6 =	vld [tilespmem:s17+$0x40]  }
0x37: {  	s12 =	smul.u32 $0x10200, s12;
	v7 =	vld [tilespmem:s17+$0x50];
	v1 =	vperm.xlane.i2c.b16 v1;
	v0 =	vperm.xlane.i2c.b16 v0  }
0x38: {  	v8 =	vld [tilespmem:s17+$0x60];
	v2 =	vperm.xlane.i2c.b16 v2;
	v3 =	vperm.xlane.i2c.b16 v3  }
0x39: {  	v10 =	vld [tilespmem:s17+$0x70];
	s12 =	sshrl.u32 s12, $0x2;
	v9 =	vcombine.low v0, v1;
	v0 =	vcombine.high v0, v1  }
0x3a: {  	s12 =	sor.u32 $0x8000, s12;
	v1 =	vperm.xlane.i2c.b16 v5;
	v5 =	vld [tilespmem:s17+$0x200];
	v11 =	vcombine.low v2, v3  }
0x3b: {  	v4 =	vperm.xlane.i2c.b16 v4;
	v2 =	vcombine.high v2, v3;
	v3 =	vld [tilespmem:s17+$0x210];
	[tilespmem:s12+$0x3870 ss:$0x81] =	vst.msk $0xffff, v9  }
0x3c: {  	s30 =	simm.s32 $0x100;
	v6 =	vperm.xlane.i2c.b16 v6;
	v7 =	vperm.xlane.i2c.b16 v7;
	v9 =	vld [tilespmem:s17+$0x220];
	[tilespmem:s12+$0x0 ss:$0x81] =	vst.msk $0xffff, v11  }
0x3d: {  	s16 =	simm.s32 $0x80;
	s14 =	sand.u32 $0x3C00, s30;
	[tilespmem:s12+$0x3871 ss:$0x81] =	vst.msk $0xffff, v0;
	v0 =	vcombine.low v4, v1;
	v1 =	vcombine.high v4, v1;
	v4 =	vld [tilespmem:s17+$0x230]  }
0x3e: {  	s18 =	sand.u32 $0x180, s16;
	s14 =	sadd.s32 s14, s13;
	[tilespmem:s12+$0x1 ss:$0x81] =	vst.msk $0xffff, v2;
	v2 =	vperm.xlane.i2c.b16 v8;
	v8 =	vperm.xlane.i2c.b16 v10;
	v10 =	vld [tilespmem:s17+$0x240]  }
0x3f: {  	s14 =	sadd.s32 s18, s14;
	[tilespmem:s12+$0x810 ss:$0x81] =	vst.msk $0xffff, v0;
	v0 =	vcombine.low v6, v7;
	v6 =	vcombine.high v6, v7;
	v7 =	vld [tilespmem:s17+$0x250]  }
0x40: {  	v11 =	vcombine.low v2, v8;
	v2 =	vcombine.high v2, v8;
	v8 =	vld [tilespmem:s14+$0x0];
	[tilespmem:s12+$0x811 ss:$0x81] =	vst.msk $0xffff, v1  }
0x41: {  	v1 =	vperm.xlane.i2c.b16 v5;
	v5 =	vld [tilespmem:s14+$0x260];
	[tilespmem:s12+$0x1020 ss:$0x81] =	vst.msk $0xffff, v0;
	v0 =	vperm.xlane.i2c.b16 v3  }
0x42: {  	v3 =	vld [tilespmem:s14+$0x270];
	[tilespmem:s12+$0x1021 ss:$0x81] =	vst.msk $0xffff, v6;
	v6 =	vperm.xlane.i2c.b16 v9  }
0x43: {  	[tilespmem:s12+$0x1830 ss:$0x81] =	vst.msk $0xffff, v11;
	v11 =	vld [tilespmem:s14+$0x10];
	v4 =	vperm.xlane.i2c.b16 v4;
	v9 =	vcombine.low v1, v0  }
0x44: {  	v12 =	vcombine.high v1, v0;
	v0 =	vperm.xlane.i2c.b16 v10  }
0x45: {  	[tilespmem:s12+$0x1831 ss:$0x81] =	vst.msk $0xffff, v2;
	v2 =	vld [tilespmem:s14+$0x20];
	v10 =	vcombine.low v6, v4;
	v1 =	vperm.xlane.i2c.b16 v7  }
0x46: {  	v4 =	vcombine.high v6, v4;
	v8 =	vperm.xlane.i2c.b16 v8;
	[tilespmem:s12+$0x2040 ss:$0x81] =	vst.msk $0xffff, v9;
	v9 =	vld [tilespmem:s14+$0x30]  }
0x47: {  	v5 =	vperm.xlane.i2c.b16 v5;
	[tilespmem:s12+$0x2041 ss:$0x81] =	vst.msk $0xffff, v12;
	v12 =	vld [tilespmem:s14+$0x40];
	v6 =	vperm.xlane.i2c.b16 v3  }
0x48: {  	[tilespmem:s12+$0x2850 ss:$0x81] =	vst.msk $0xffff, v10;
	v10 =	vld [tilespmem:s14+$0x50];
	v13 =	vcombine.low v0, v1;
	v11 =	vperm.xlane.i2c.b16 v11  }
0x49: {  	[tilespmem:s12+$0x2851 ss:$0x81] =	vst.msk $0xffff, v4;
	v4 =	vld [tilespmem:s14+$0x60];
	v14 =	vcombine.low v5, v6  }
0x4a: {  	s31 =	smul.u32 $0x10200, s15;
	s15 =	sadd.s32 $0x2, s12;
	v3 =	vld [tilespmem:s14+$0x70];
	v7 =	vperm.xlane.i2c.b16 v2;
	[tilespmem:s12+$0x3060 ss:$0x81] =	vst.msk $0xffff, v13;
	v13 =	vcombine.low v8, v11  }
0x4b: {  	v5 =	vcombine.high v5, v6;
	v6 =	vld [tilespmem:s14+$0x200];
	v9 =	vperm.xlane.i2c.b16 v9;
	[tilespmem:s15+$0x3870 ss:$0x81] =	vst.msk $0xffff, v14  }
0x4c: {  	s17 =	sshrl.u32 s31, $0x2;
	v2 =	vld [tilespmem:s14+$0x210];
	v11 =	vcombine.high v8, v11;
	[tilespmem:s15+$0x0 ss:$0x81] =	vst.msk $0xffff, v13;
	v8 =	vperm.xlane.i2c.b16 v12  }
0x4d: {  	s19 =	simm.s32 $0x200;
	s18 =	simm.s32 $0x2;
	s17 =	sor.u32 $0x8000, s17;
	[tilespmem:s15+$0x3871 ss:$0x81] =	vst.msk $0xffff, v5;
	v10 =	vperm.xlane.i2c.b16 v10;
	v5 =	vld [tilespmem:s14+$0x220];
	v12 =	vcombine.low v7, v9  }
.LBB1_3:
0x4e: {  	s20 =	sand.u32 $0x3C00, s19;
	[tilespmem:s15+$0x1 ss:$0x81] =	vst.msk $0xffff, v11;
	v7 =	vcombine.high v7, v9;
	v4 =	vperm.xlane.i2c.b16 v4;
	v9 =	vld [tilespmem:s14+$0x230];
	s16 =	sadd.s32 $0x80, s16  }
0x4f: {  	s21 =	sand.u32 $0x180, s16;
	s20 =	sadd.s32 s20, s13;
	[tilespmem:s15+$0x810 ss:$0x81] =	vst.msk $0xffff, v12;
	v11 =	vcombine.low v8, v10;
	v3 =	vperm.xlane.i2c.b16 v3;
	v12 =	vld [tilespmem:s14+$0x240]  }
0x50: {  	s18 =	sadd.s32 $0x2, s18;
	[tilespmem:s15+$0x811 ss:$0x81] =	vst.msk $0xffff, v7;
	v7 =	vcombine.high v8, v10;
	v6 =	vperm.xlane.i2c.b16 v6;
	v8 =	vld [tilespmem:s14+$0x250];
	s14 =	sadd.s32 s21, s20  }
0x51: {  	p1 =	slt.u32 s18, $0x7E;
	v10 =	vld [tilespmem:s14+$0x260];
	[tilespmem:s15+$0x1020 ss:$0x81] =	vst.msk $0xffff, v11;
	v11 =	vcombine.low v4, v3;
	v2 =	vperm.xlane.i2c.b16 v2  }
0x52: {  	v3 =	vcombine.high v4, v3;
	v13 =	vld [tilespmem:s14+$0x270];
	[tilespmem:s15+$0x1021 ss:$0x81] =	vst.msk $0xffff, v7;
	v4 =	vperm.xlane.i2c.b16 v5  }
0x53: {  	v5 =	vld [tilespmem:s14+$0x0];
	[tilespmem:s15+$0x1830 ss:$0x81] =	vst.msk $0xffff, v11;
	v7 =	vcombine.low v6, v2;
	v9 =	vperm.xlane.i2c.b16 v9  }
0x54: {  	v2 =	vcombine.high v6, v2;
	v11 =	vld [tilespmem:s14+$0x10];
	[tilespmem:s15+$0x1831 ss:$0x81] =	vst.msk $0xffff, v3;
	v3 =	vperm.xlane.i2c.b16 v12  }
0x55: {  	v6 =	vld [tilespmem:s14+$0x20];
	[tilespmem:s15+$0x2040 ss:$0x81] =	vst.msk $0xffff, v7;
	v7 =	vcombine.low v4, v9;
	v8 =	vperm.xlane.i2c.b16 v8  }
0x56: {  	v12 =	vld [tilespmem:s14+$0x30];
	[tilespmem:s15+$0x2041 ss:$0x81] =	vst.msk $0xffff, v2;
	v2 =	vcombine.high v4, v9;
	v9 =	vcombine.high v0, v1;
	v0 =	vmov v3  }
0x57: {  	v10 =	vperm.xlane.i2c.b16 v10;
	v14 =	vld [tilespmem:s14+$0x40];
	v13 =	vperm.xlane.i2c.b16 v13;
	[tilespmem:s15+$0x2850 ss:$0x81] =	vst.msk $0xffff, v7;
	v1 =	vmov v8  }
0x58: {  	v5 =	vperm.xlane.i2c.b16 v5;
	v15 =	vld [tilespmem:s14+$0x50];
	[tilespmem:s15+$0x2851 ss:$0x81] =	vst.msk $0xffff, v2;
	v2 =	vcombine.low v0, v1  }
.Ltmp3:
0x59: {  	v8 =	vperm.xlane.i2c.b16 v11;
	v4 =	vld [tilespmem:s14+$0x60];
	v11 =	vcombine.low v10, v13;
	[tilespmem:s12+$0x3061 ss:$0x81] =	vst.msk $0xffff, v9;
	s12 =	smov.u32 s15;
	(pc) =	sbr.rel @p1 .LBB1_3-.Ltmp3, $4  }
0x5a: {  	v10 =	vcombine.high v10, v13;
	s15 =	sadd.s32 $0x2, s15;
	v7 =	vperm.xlane.i2c.b16 v6;
	v3 =	vld [tilespmem:s14+$0x70];
	[tilespmem:s12+$0x3060 ss:$0x81] =	vst.msk $0xffff, v2  }
0x5b: {  	v13 =	vcombine.low v5, v8;
	v9 =	vperm.xlane.i2c.b16 v12;
	v6 =	vld [tilespmem:s14+$0x200];
	[tilespmem:s15+$0x3870 ss:$0x81] =	vst.msk $0xffff, v11  }
0x5c: {  	v11 =	vcombine.high v5, v8;
	v8 =	vperm.xlane.i2c.b16 v14;
	v2 =	vld [tilespmem:s14+$0x210];
	[tilespmem:s15+$0x3871 ss:$0x81] =	vst.msk $0xffff, v10  }
0x5d: {  	s19 =	sadd.s32 $0x100, s19;
	[tilespmem:s15+$0x0 ss:$0x81] =	vst.msk $0xffff, v13;
	v12 =	vcombine.low v7, v9;
	v10 =	vperm.xlane.i2c.b16 v15;
	v5 =	vld [tilespmem:s14+$0x220]  }
0x5e: {  	[tilespmem:s15+$0x1 ss:$0x81] =	vst.msk $0xffff, v11;
	v7 =	vcombine.high v7, v9;
	v4 =	vperm.xlane.i2c.b16 v4;
	v49 =	vld [tilespmem:s14+$0x230]  }
0x5f: {  	v51 =	vld [tilespmem:s14+$0x240];
	v0 =	vcombine.high v0, v1;
	[tilespmem:s15+$0x810 ss:$0x81] =	vst.msk $0xffff, v12;
	v50 =	vcombine.low v8, v10  }
0x60: {  	s13 =	sshll.u32 s11, $0x3;
	s28 =	sshll.u32 s11, $0x1;
	v53 =	vld [tilespmem:s14+$0x250];
	v3 =	vperm.xlane.i2c.b16 v3;
	v52 =	vcombine.high v8, v10;
	[tilespmem:s15+$0x811 ss:$0x81] =	vst.msk $0xffff, v7  }
0x61: {  	s13 =	sand.u32 $0xFFFFFC00, s13;
	s11 =	sand.u32 $0xFE, s28;
	v6 =	vperm.xlane.i2c.b16 v6;
	[tilespmem:s12+$0x3061 ss:$0x81] =	vst.msk $0xffff, v0;
	v2 =	vperm.xlane.i2c.b16 v2  }
0x62: {  	s11 =	sor.u32 s11, s13;
	[tilespmem:s15+$0x1020 ss:$0x81] =	vst.msk $0xffff, v50;
	v54 =	vcombine.low v4, v3;
	v3 =	vcombine.high v4, v3  }
0x63: {  	s29 =	smulhi.u32 $0xA79C7B17, s11;
	[tilespmem:s15+$0x1021 ss:$0x81] =	vst.msk $0xffff, v52;
	v55 =	vperm.xlane.i2c.b16 v5;
	v56 =	vcombine.low v6, v2  }
0x64: {  	[tilespmem:s15+$0x1830 ss:$0x81] =	vst.msk $0xffff, v54;
	v57 =	vperm.xlane.i2c.b16 v49;
	v2 =	vcombine.high v6, v2  }
0x65: {  	s13 =	smulhi.u32 $0xA79C7B17, s13;
	v58 =	vperm.xlane.i2c.b16 v51;
	s14 =	sshrl.u32 s29, $0x10;
	v60 =	vperm.xlane.i2c.b16 v53;
	[tilespmem:s15+$0x1831 ss:$0x81] =	vst.msk $0xffff, v3  }
0x66: {  	s14 =	smul.u32 $0x18700, s14;
	[tilespmem:s15+$0x2040 ss:$0x81] =	vst.msk $0xffff, v56;
	v59 =	vcombine.low v55, v57  }
0x67: {  	s13 =	sshrl.u32 s13, $0x10;
	v62 =	vcombine.low v58, v60;
	[tilespmem:s15+$0x2041 ss:$0x81] =	vst.msk $0xffff, v2  }
.Ltmp4:
0x68: {  	s13 =	sand.u32 $0xFF, s13;
	v61 =	vcombine.high v55, v57;
	s11 =	ssub.s32 s11, s14;
	[tilespmem:s15+$0x2850 ss:$0x81] =	vst.msk $0xffff, v59;
	(pc) =	sbr.rel .LBB1_5-.Ltmp4, $4  }
0x69: {  	s30 =	smul.u32 $0x1870, s13;
	v63 =	vcombine.high v58, v60;
	s31 =	sshrl.u32 s11, $0x4;
	s11 =	sshll.u32 s11, $0x11;
	[tilespmem:s15+$0x3060 ss:$0x81] =	vst.msk $0xffff, v62  }
0x6a: {  	[tilespmem:s15+$0x2851 ss:$0x81] =	vst.msk $0xffff, v61;
	s13 =	sadd.s32 s4, s31;
	s11 =	sand.u32 $0x1C0000, s11  }
0x6b: {  	[tilespmem:s15+$0x3061 ss:$0x81] =	vst.msk $0xffff, v63;
	s12 =	sadd.s32 s30, s13;
	s11 =	sor.u32 $0x200, s11  }
0x6c: {  	[hbm4b:s12+s11] =	stream.strided.scatter [tilespmem:s17], [sflag:$0x2], $0x4000, s8, s11, $0x20;
	[tilespmem:$0x10100] =	vst v63  }
.LBB1_6:
0x6d: {  	_ =	sfence.sel $0x180000  }
0x6e: {  	s2 =	simm.s32 $0x1;
	[bflag:$0x0] =	sbarrier.arrive $0xFFFF  }
0x6f: {  	s31 =	simm.s32 $0x2;
	[sflag:s2] =	ssyncpa.u1 $0x1  }
0x70: {  	[sflag:s31] =	ssyncpa.u1 $0x1  }
0x71: {  	p0 =	sne.s32 s1, $0x0;
	_ =	strace $0x90000047  }
0x72: {  	s0 =	sadd.s32 @!p0 $0x100000, s0;
	[bflag:$0x2] =	sbarrier.arrive $0xFFFF  }
0x73: {  	[sflag:s0] =	ssyncadd.tile.s32 @!p0 $0x1;
	_ =	shalt  }
.Lfunc_end1:
_tile_overlayer_lowered:
.L_overlay_start_2:
0x74: {  	(tag) =	ssettag $0x2  }
0x75: {  	s0 =	rddreg [dreg:$0x0];
	s2 =	stileid.u32  }
0x76: {  	s1 =	rddreg [dreg:$0x1];
	p0 =	sne.s32 s2, $0x0  }
0x77: {  	s3 =	rddreg [dreg:$0x2];
	[bflag:$0x3] =	sbarrier.arrive $0xFFFF;
	s2 =	simm.s32 @!p0 $0x1C01  }
0x78: {  	[timem:s3], [sflag:s2] =	dma.local @!p0 [hbm:s0], s1  }
0x79: {  	s0 =	simm.s32 @!p0 $0x1  }
0x7a: {  	_ =	swait.ge @!p0 [sflag:s0], s1  }
0x7b: {  	s1 =	ssub.s32 @!p0 $0x0, s1;
	[sflag:s0] =	ssyncset.done @!p0 $0x0  }
0x7c: {  	[sflag:s0] =	ssyncadd.s32 @!p0 s1  }
0x7d: {  	[bflag:$0x3] =	sbarrier.arrive $0xFFFF  }
0x7e: {  	_ =	shalt  }

</sc_bundles>
